<compile_context>
chip_gen: v7x
topology: tpu7x:2x2x1
jax: 0.10.2.dev20260603
libtpu: 0.0.44.dev20260713+nightly
codegen_flags: <defaults>
</compile_context>

<pallas_src>
import functools

import jax
import jax.numpy as jnp
from jax import lax
from jax.experimental import pallas as pl
from jax.experimental.pallas import tpu as pltpu
from jax.experimental.pallas import tpu_sc as plsc

NUM_CORES = 2
NUM_SUBCORES = 16
NUM_WORKERS = NUM_CORES * NUM_SUBCORES
LANES = 16

BLK_B = 128
TPITCH = BLK_B + 1


def _build_gather(batch: int, hist: int, embed_dim: int):
    assert batch % (NUM_WORKERS * BLK_B) == 0
    batch_per_w = batch // NUM_WORKERS
    b_per_w = batch_per_w * hist
    nbloc = batch_per_w // BLK_B
    n_blocks = nbloc * hist
    assert n_blocks % 2 == 0
    n_outer = n_blocks // 2
    eg = embed_dim // LANES
    mesh = plsc.VectorSubcoreMesh(
        core_axis_name="c", subcore_axis_name="s",
        num_cores=NUM_CORES, num_subcores=NUM_SUBCORES)

    @functools.partial(
        pl.kernel,
        out_type=jax.ShapeDtypeStruct(
            (hist, embed_dim // 8, batch // 128, 8, 128), jnp.float32),
        mesh=mesh,
        scratch_types=[
            pltpu.VMEM((b_per_w,), jnp.int32),
            pltpu.VMEM((BLK_B,), jnp.int32),
            pltpu.VMEM((BLK_B,), jnp.int32),
            pltpu.VMEM((BLK_B, embed_dim), jnp.float32),
            pltpu.VMEM((BLK_B, embed_dim), jnp.float32),
            pltpu.VMEM((embed_dim // 8, 8, TPITCH), jnp.float32),
            pltpu.VMEM((embed_dim // 8, 8, TPITCH), jnp.float32),
            pltpu.SemaphoreType.DMA,
            pltpu.SemaphoreType.DMA,
            pltpu.SemaphoreType.DMA,
            pltpu.SemaphoreType.DMA,
        ],
        compiler_params=pltpu.CompilerParams(
            use_tc_tiling_on_sc=False, needs_layout_passes=False),
    )
    def gather_kernel(x_hbm, table_hbm, out_hbm, idx_v, cb0, cb1,
                      gb0, gb1, tb0, tb1, g_sem0, g_sem1, o_sem0, o_sem1):
        wid = lax.axis_index("s") * NUM_CORES + lax.axis_index("c")
        base = wid * b_per_w
        batch_base = wid * batch_per_w
        cbufs = (cb0, cb1)
        gbufs = (gb0, gb1)
        tbufs = (tb0, tb1)
        g_sems = (g_sem0, g_sem1)
        o_sems = (o_sem0, o_sem1)

        pltpu.sync_copy(x_hbm.at[pl.ds(base, b_per_w)], idx_v)

        lane = lax.iota(jnp.int32, LANES)
        lane_h = lane * hist

        def fire(blk, par):
            h = blk // nbloc
            bloc = blk % nbloc
            cbuf = cbufs[par]
            col0 = bloc * (BLK_B * hist) + h
            for j in range(BLK_B // LANES):
                vec = plsc.load_gather(idx_v, [lane_h + (col0 + j * LANES * hist)])
                cbuf[pl.ds(j * LANES, LANES)] = vec
            pltpu.async_copy(table_hbm.at[cbufs[par]], gbufs[par], g_sems[par])

        def drain_gather(par):
            pltpu.make_async_copy(
                table_hbm.at[pl.ds(0, BLK_B)], gbufs[par], g_sems[par]).wait()

        et_vecs = [(lane + q * LANES) // 8 for q in range(eg)]
        e8_vecs = [(lane + q * LANES) % 8 for q in range(eg)]

        def transpose(par):
            gbuf = gbufs[par]
            tbuf = tbufs[par]

            @plsc.parallel_loop(0, BLK_B, step=1, unroll=8)
            def _(b):
                bb = lax.broadcast(b, (LANES,))
                for q in range(eg):
                    seg = gbuf[b, pl.ds(q * LANES, LANES)]
                    plsc.store_scatter(tbuf, [et_vecs[q], e8_vecs[q], bb], seg)

        def store(blk, par):
            h = blk // nbloc
            bloc = blk % nbloc
            bt = wid * nbloc + bloc
            pltpu.async_copy(
                tbufs[par].at[:, :, pl.ds(0, BLK_B)],
                out_hbm.at[h, :, bt], o_sems[par])

        def wait_store(par):
            pltpu.make_async_copy(
                tbufs[par].at[:, :, pl.ds(0, BLK_B)],
                out_hbm.at[0, :, 0], o_sems[par]).wait()

        fire(0, 0)

        def outer(g, carry):
            for par in (0, 1):
                i = 2 * g + par
                if par == 0:
                    fire(i + 1, 1)
                else:
                    @pl.when(g < n_outer - 1)
                    def _():
                        fire(i + 1, 0)
                drain_gather(par)
                @pl.when(g > 0)
                def _():
                    wait_store(par)
                transpose(par)
                store(i, par)
            return carry

        lax.fori_loop(0, n_outer, outer, 0)
        wait_store(0)
        wait_store(1)

    return gather_kernel


@jax.jit
def kernel(x, table):
    batch, hist = x.shape
    _, embed_dim = table.shape
    flat_idx = x.reshape(-1).astype(jnp.int32)
    out5 = _build_gather(batch, hist, embed_dim)(flat_idx, table)
    out_t = jnp.transpose(out5, (2, 4, 0, 1, 3))
    return out_t.reshape(batch, hist, embed_dim)

# --- scband reference (transcript-rebuilt; emitter-appended) ---
"""Pipeline reference for scband-text-encoder-18622978196084 (READ-ONLY COPY).

The authoritative reference and input builder live on the scoring server;
editing this copy changes nothing except your own understanding.
"""

import jax, jax.numpy as jnp
import numpy as np

VOCAB = 1000000
EMBED_DIM = 64
BATCH = 16384
HIST = 50

def setup_inputs(seed: int = 0) -> dict:
    key = jax.random.key(seed)
    k_idx, k_tab = jax.random.split(key)
    x = jax.random.randint(k_idx, (BATCH, HIST), 0, VOCAB, dtype=jnp.int64)
    table = jax.random.normal(k_tab, (VOCAB, EMBED_DIM), dtype=jnp.float32)
    return {"x": x, "table": table}

def reference(x, table):
    # nn.Embedding forward: gather rows of the embedding table
    return jnp.take(table, x, axis=0)

if __name__ == "__main__":
    import jax
    _d = setup_inputs()
    print(jax.jit(kernel)(*tuple(_d.values())))

</pallas_src>

<mosaic_0001>
#map = affine_map<(d0, d1) -> (0)>
#map1 = affine_map<(d0, d1) -> (0, 0)>
#map2 = affine_map<(d0, d1) -> (0, 0, 0, 0, 0)>
module attributes {stable_mosaic.version = 14 : i64} {
  func.func @gather_kernel(%arg0: i32, %arg1: i32, %arg2: memref<819200xi32, #tpu.memory_space<hbm>>, %arg3: memref<1000000x64xf32, #tpu.memory_space<hbm>>, %arg4: memref<50x8x128x8x128xf32, #tpu.memory_space<hbm>>, %arg5: memref<25600xi32, #tpu.memory_space<vmem>>, %arg6: memref<128xi32, #tpu.memory_space<vmem>>, %arg7: memref<128xi32, #tpu.memory_space<vmem>>, %arg8: memref<128x64xf32, #tpu.memory_space<vmem>>, %arg9: memref<128x64xf32, #tpu.memory_space<vmem>>, %arg10: memref<8x8x129xf32, #tpu.memory_space<vmem>>, %arg11: memref<8x8x129xf32, #tpu.memory_space<vmem>>, %arg12: memref<!tpu.dma_semaphore, #tpu.memory_space<semaphore_mem>>, %arg13: memref<!tpu.dma_semaphore, #tpu.memory_space<semaphore_mem>>, %arg14: memref<!tpu.dma_semaphore, #tpu.memory_space<semaphore_mem>>, %arg15: memref<!tpu.dma_semaphore, #tpu.memory_space<semaphore_mem>>) attributes {dimension_semantics = [#tpu.dimension_semantics<core_parallel>, #tpu.dimension_semantics<subcore_parallel>], iteration_bounds = array<i64: 2, 16>, scalar_prefetch = 0 : i64, scratch_operands = 11 : i64, tpu.core_type = #tpu.core_type<sc_vector_subcore>, window_params = [{transform_indices = #map}, {transform_indices = #map1}, {transform_indices = #map2}]} {
    %mul3A = arith.constant 2 : i32
    %mul3A_0 = arith.muli %arg1, %mul3A : i32
    %add3A = arith.addi %mul3A_0, %arg0 : i32
    %mul3A_1 = arith.constant 25600 : i32
    %mul3A_2 = arith.muli %add3A, %mul3A_1 : i32
    %mul3A_3 = arith.constant 512 : i32
    %mul3A_4 = arith.muli %add3A, %mul3A_3 : i32
    "tpu.region"() ({
      %run_scoped3A = tpu.sem_alloc : memref<!tpu.dma_semaphore, #tpu.memory_space<semaphore_mem>>
      %dma_start3A_326 = tpu.memref_slice %arg2[%mul3A_2] : memref<819200xi32, #tpu.memory_space<hbm>> -> memref<25600xi32, #tpu.memory_space<hbm>>
      %dma_start3A_327 = tpu.memref_slice %arg2[%mul3A_2] : memref<819200xi32, #tpu.memory_space<hbm>> -> memref<25600xi32, #tpu.memory_space<hbm>>
      tpu.enqueue_dma source(%dma_start3A_327 : memref<25600xi32, #tpu.memory_space<hbm>>) target(%arg5 : memref<25600xi32, #tpu.memory_space<vmem>>) target_semaphore(%run_scoped3A : memref<!tpu.dma_semaphore, #tpu.memory_space<semaphore_mem>>)
      %dma_wait3A_328 = tpu.memref_slice %arg2[%mul3A_2] : memref<819200xi32, #tpu.memory_space<hbm>> -> memref<25600xi32, #tpu.memory_space<hbm>>
      %dma_wait3A_329 = tpu.memref_slice %arg2[%mul3A_2] : memref<819200xi32, #tpu.memory_space<hbm>> -> memref<25600xi32, #tpu.memory_space<hbm>>
      tpu.wait_dma2 semaphore(%run_scoped3A : memref<!tpu.dma_semaphore, #tpu.memory_space<semaphore_mem>>) src(%dma_wait3A_329 : memref<25600xi32, #tpu.memory_space<hbm>>) dst(%arg5 : memref<25600xi32, #tpu.memory_space<vmem>>)
      tpu.yield
    }) : () -> ()
    %iota3A = tpu.iota {dimensions = array<i32: 0>} : vector<16xi32>
    %mul3A_5 = arith.constant 50 : i32
    %mul3A_6 = vector.broadcast %mul3A_5 : i32 to vector<16xi32>
    %mul3A_7 = arith.muli %iota3A, %mul3A_6 : vector<16xi32>
    %add3A_8 = arith.constant 0 : i32
    %add3A_9 = vector.broadcast %add3A_8 : i32 to vector<16xi32>
    %add3A_10 = arith.addi %iota3A, %add3A_9 : vector<16xi32>
    %jit3A = arith.constant 8 : i32
    %div3A = vector.broadcast %jit3A : i32 to vector<16xi32>
    %div3A_11 = arith.divsi %add3A_10, %div3A : vector<16xi32>
    %sign3A = arith.constant 0 : i32
    %sign3A_12 = vector.broadcast %sign3A : i32 to vector<16xi32>
    %sign3A_13 = arith.cmpi sgt, %add3A_10, %sign3A_12 : vector<16xi32>
    %sign3A_14 = arith.extui %sign3A_13 : vector<16xi1> to vector<16xi32>
    %sign3A_15 = arith.constant 0 : i32
    %sign3A_16 = vector.broadcast %sign3A_15 : i32 to vector<16xi32>
    %sign3A_17 = arith.cmpi slt, %add3A_10, %sign3A_16 : vector<16xi32>
    %sign3A_18 = arith.extui %sign3A_17 : vector<16xi1> to vector<16xi32>
    %sign3A_19 = arith.subi %sign3A_14, %sign3A_18 : vector<16xi32>
    %sign3A_20 = arith.constant 0 : i32
    %sign3A_21 = arith.cmpi sgt, %jit3A, %sign3A_20 : i32
    %sign3A_22 = arith.extui %sign3A_21 : i1 to i32
    %sign3A_23 = arith.constant 0 : i32
    %sign3A_24 = arith.cmpi slt, %jit3A, %sign3A_23 : i32
    %sign3A_25 = arith.extui %sign3A_24 : i1 to i32
    %sign3A_26 = arith.subi %sign3A_22, %sign3A_25 : i32
    %ne3A = vector.broadcast %sign3A_26 : i32 to vector<16xi32>
    %ne3A_27 = arith.cmpi ne, %sign3A_19, %ne3A : vector<16xi32>
    %rem3A = vector.broadcast %jit3A : i32 to vector<16xi32>
    %rem3A_28 = arith.remsi %add3A_10, %rem3A : vector<16xi32>
    %ne3A_29 = arith.constant 0 : i32
    %ne3A_30 = vector.broadcast %ne3A_29 : i32 to vector<16xi32>
    %ne3A_31 = arith.cmpi ne, %rem3A_28, %ne3A_30 : vector<16xi32>
    %and3A = arith.andi %ne3A_27, %ne3A_31 : vector<16xi1>
    %sub3A = arith.constant 1 : i32
    %sub3A_32 = vector.broadcast %sub3A : i32 to vector<16xi32>
    %sub3A_33 = arith.subi %div3A_11, %sub3A_32 : vector<16xi32>
    %select_n3A = arith.select %and3A, %sub3A_33, %div3A_11 : vector<16xi1>, vector<16xi32>
    %add3A_34 = arith.constant 16 : i32
    %add3A_35 = vector.broadcast %add3A_34 : i32 to vector<16xi32>
    %add3A_36 = arith.addi %iota3A, %add3A_35 : vector<16xi32>
    %jit3A_37 = arith.constant 8 : i32
    %div3A_38 = vector.broadcast %jit3A_37 : i32 to vector<16xi32>
    %div3A_39 = arith.divsi %add3A_36, %div3A_38 : vector<16xi32>
    %sign3A_40 = arith.constant 0 : i32
    %sign3A_41 = vector.broadcast %sign3A_40 : i32 to vector<16xi32>
    %sign3A_42 = arith.cmpi sgt, %add3A_36, %sign3A_41 : vector<16xi32>
    %sign3A_43 = arith.extui %sign3A_42 : vector<16xi1> to vector<16xi32>
    %sign3A_44 = arith.constant 0 : i32
    %sign3A_45 = vector.broadcast %sign3A_44 : i32 to vector<16xi32>
    %sign3A_46 = arith.cmpi slt, %add3A_36, %sign3A_45 : vector<16xi32>
    %sign3A_47 = arith.extui %sign3A_46 : vector<16xi1> to vector<16xi32>
    %sign3A_48 = arith.subi %sign3A_43, %sign3A_47 : vector<16xi32>
    %sign3A_49 = arith.constant 0 : i32
    %sign3A_50 = arith.cmpi sgt, %jit3A_37, %sign3A_49 : i32
    %sign3A_51 = arith.extui %sign3A_50 : i1 to i32
    %sign3A_52 = arith.constant 0 : i32
    %sign3A_53 = arith.cmpi slt, %jit3A_37, %sign3A_52 : i32
    %sign3A_54 = arith.extui %sign3A_53 : i1 to i32
    %sign3A_55 = arith.subi %sign3A_51, %sign3A_54 : i32
    %ne3A_56 = vector.broadcast %sign3A_55 : i32 to vector<16xi32>
    %ne3A_57 = arith.cmpi ne, %sign3A_48, %ne3A_56 : vector<16xi32>
    %rem3A_58 = vector.broadcast %jit3A_37 : i32 to vector<16xi32>
    %rem3A_59 = arith.remsi %add3A_36, %rem3A_58 : vector<16xi32>
    %ne3A_60 = arith.constant 0 : i32
    %ne3A_61 = vector.broadcast %ne3A_60 : i32 to vector<16xi32>
    %ne3A_62 = arith.cmpi ne, %rem3A_59, %ne3A_61 : vector<16xi32>
    %and3A_63 = arith.andi %ne3A_57, %ne3A_62 : vector<16xi1>
    %sub3A_64 = arith.constant 1 : i32
    %sub3A_65 = vector.broadcast %sub3A_64 : i32 to vector<16xi32>
    %sub3A_66 = arith.subi %div3A_39, %sub3A_65 : vector<16xi32>
    %select_n3A_67 = arith.select %and3A_63, %sub3A_66, %div3A_39 : vector<16xi1>, vector<16xi32>
    %add3A_68 = arith.constant 32 : i32
    %add3A_69 = vector.broadcast %add3A_68 : i32 to vector<16xi32>
    %add3A_70 = arith.addi %iota3A, %add3A_69 : vector<16xi32>
    %jit3A_71 = arith.constant 8 : i32
    %div3A_72 = vector.broadcast %jit3A_71 : i32 to vector<16xi32>
    %div3A_73 = arith.divsi %add3A_70, %div3A_72 : vector<16xi32>
    %sign3A_74 = arith.constant 0 : i32
    %sign3A_75 = vector.broadcast %sign3A_74 : i32 to vector<16xi32>
    %sign3A_76 = arith.cmpi sgt, %add3A_70, %sign3A_75 : vector<16xi32>
    %sign3A_77 = arith.extui %sign3A_76 : vector<16xi1> to vector<16xi32>
    %sign3A_78 = arith.constant 0 : i32
    %sign3A_79 = vector.broadcast %sign3A_78 : i32 to vector<16xi32>
    %sign3A_80 = arith.cmpi slt, %add3A_70, %sign3A_79 : vector<16xi32>
    %sign3A_81 = arith.extui %sign3A_80 : vector<16xi1> to vector<16xi32>
    %sign3A_82 = arith.subi %sign3A_77, %sign3A_81 : vector<16xi32>
    %sign3A_83 = arith.constant 0 : i32
    %sign3A_84 = arith.cmpi sgt, %jit3A_71, %sign3A_83 : i32
    %sign3A_85 = arith.extui %sign3A_84 : i1 to i32
    %sign3A_86 = arith.constant 0 : i32
    %sign3A_87 = arith.cmpi slt, %jit3A_71, %sign3A_86 : i32
    %sign3A_88 = arith.extui %sign3A_87 : i1 to i32
    %sign3A_89 = arith.subi %sign3A_85, %sign3A_88 : i32
    %ne3A_90 = vector.broadcast %sign3A_89 : i32 to vector<16xi32>
    %ne3A_91 = arith.cmpi ne, %sign3A_82, %ne3A_90 : vector<16xi32>
    %rem3A_92 = vector.broadcast %jit3A_71 : i32 to vector<16xi32>
    %rem3A_93 = arith.remsi %add3A_70, %rem3A_92 : vector<16xi32>
    %ne3A_94 = arith.constant 0 : i32
    %ne3A_95 = vector.broadcast %ne3A_94 : i32 to vector<16xi32>
    %ne3A_96 = arith.cmpi ne, %rem3A_93, %ne3A_95 : vector<16xi32>
    %and3A_97 = arith.andi %ne3A_91, %ne3A_96 : vector<16xi1>
    %sub3A_98 = arith.constant 1 : i32
    %sub3A_99 = vector.broadcast %sub3A_98 : i32 to vector<16xi32>
    %sub3A_100 = arith.subi %div3A_73, %sub3A_99 : vector<16xi32>
    %select_n3A_101 = arith.select %and3A_97, %sub3A_100, %div3A_73 : vector<16xi1>, vector<16xi32>
    %add3A_102 = arith.constant 48 : i32
    %add3A_103 = vector.broadcast %add3A_102 : i32 to vector<16xi32>
    %add3A_104 = arith.addi %iota3A, %add3A_103 : vector<16xi32>
    %jit3A_105 = arith.constant 8 : i32
    %div3A_106 = vector.broadcast %jit3A_105 : i32 to vector<16xi32>
    %div3A_107 = arith.divsi %add3A_104, %div3A_106 : vector<16xi32>
    %sign3A_108 = arith.constant 0 : i32
    %sign3A_109 = vector.broadcast %sign3A_108 : i32 to vector<16xi32>
    %sign3A_110 = arith.cmpi sgt, %add3A_104, %sign3A_109 : vector<16xi32>
    %sign3A_111 = arith.extui %sign3A_110 : vector<16xi1> to vector<16xi32>
    %sign3A_112 = arith.constant 0 : i32
    %sign3A_113 = vector.broadcast %sign3A_112 : i32 to vector<16xi32>
    %sign3A_114 = arith.cmpi slt, %add3A_104, %sign3A_113 : vector<16xi32>
    %sign3A_115 = arith.extui %sign3A_114 : vector<16xi1> to vector<16xi32>
    %sign3A_116 = arith.subi %sign3A_111, %sign3A_115 : vector<16xi32>
    %sign3A_117 = arith.constant 0 : i32
    %sign3A_118 = arith.cmpi sgt, %jit3A_105, %sign3A_117 : i32
    %sign3A_119 = arith.extui %sign3A_118 : i1 to i32
    %sign3A_120 = arith.constant 0 : i32
    %sign3A_121 = arith.cmpi slt, %jit3A_105, %sign3A_120 : i32
    %sign3A_122 = arith.extui %sign3A_121 : i1 to i32
    %sign3A_123 = arith.subi %sign3A_119, %sign3A_122 : i32
    %ne3A_124 = vector.broadcast %sign3A_123 : i32 to vector<16xi32>
    %ne3A_125 = arith.cmpi ne, %sign3A_116, %ne3A_124 : vector<16xi32>
    %rem3A_126 = vector.broadcast %jit3A_105 : i32 to vector<16xi32>
    %rem3A_127 = arith.remsi %add3A_104, %rem3A_126 : vector<16xi32>
    %ne3A_128 = arith.constant 0 : i32
    %ne3A_129 = vector.broadcast %ne3A_128 : i32 to vector<16xi32>
    %ne3A_130 = arith.cmpi ne, %rem3A_127, %ne3A_129 : vector<16xi32>
    %and3A_131 = arith.andi %ne3A_125, %ne3A_130 : vector<16xi1>
    %sub3A_132 = arith.constant 1 : i32
    %sub3A_133 = vector.broadcast %sub3A_132 : i32 to vector<16xi32>
    %sub3A_134 = arith.subi %div3A_107, %sub3A_133 : vector<16xi32>
    %select_n3A_135 = arith.select %and3A_131, %sub3A_134, %div3A_107 : vector<16xi1>, vector<16xi32>
    %add3A_136 = arith.constant 0 : i32
    %add3A_137 = vector.broadcast %add3A_136 : i32 to vector<16xi32>
    %add3A_138 = arith.addi %iota3A, %add3A_137 : vector<16xi32>
    %jit3A_139 = arith.constant 8 : i32
    %eq3A = arith.constant 0 : i32
    %eq3A_140 = arith.cmpi eq, %jit3A_139, %eq3A : i32
    %jit3A_141 = arith.constant 1 : i32
    %select_n3A_142 = arith.select %eq3A_140, %jit3A_141, %jit3A_139 : i32
    %rem3A_143 = vector.broadcast %select_n3A_142 : i32 to vector<16xi32>
    %rem3A_144 = arith.remsi %add3A_138, %rem3A_143 : vector<16xi32>
    %ne3A_145 = arith.constant 0 : i32
    %ne3A_146 = vector.broadcast %ne3A_145 : i32 to vector<16xi32>
    %ne3A_147 = arith.cmpi ne, %rem3A_144, %ne3A_146 : vector<16xi32>
    %lt3A = arith.constant 0 : i32
    %lt3A_148 = vector.broadcast %lt3A : i32 to vector<16xi32>
    %lt3A_149 = arith.cmpi slt, %rem3A_144, %lt3A_148 : vector<16xi32>
    %lt3A_150 = arith.constant 0 : i32
    %lt3A_151 = arith.cmpi slt, %select_n3A_142, %lt3A_150 : i32
    %ne3A_152 = vector.broadcast %lt3A_151 : i1 to vector<16xi1>
    %ne3A_153 = vector.broadcast %ne3A_152 : vector<16xi1> to vector<16xi1>
    %ne3A_154 = arith.xori %lt3A_149, %ne3A_153 : vector<16xi1>
    %and3A_155 = arith.andi %ne3A_154, %ne3A_147 : vector<16xi1>
    %add3A_156 = vector.broadcast %select_n3A_142 : i32 to vector<16xi32>
    %add3A_157 = arith.addi %rem3A_144, %add3A_156 : vector<16xi32>
    %select_n3A_158 = arith.select %and3A_155, %add3A_157, %rem3A_144 : vector<16xi1>, vector<16xi32>
    %add3A_159 = arith.constant 16 : i32
    %add3A_160 = vector.broadcast %add3A_159 : i32 to vector<16xi32>
    %add3A_161 = arith.addi %iota3A, %add3A_160 : vector<16xi32>
    %jit3A_162 = arith.constant 8 : i32
    %eq3A_163 = arith.constant 0 : i32
    %eq3A_164 = arith.cmpi eq, %jit3A_162, %eq3A_163 : i32
    %jit3A_165 = arith.constant 1 : i32
    %select_n3A_166 = arith.select %eq3A_164, %jit3A_165, %jit3A_162 : i32
    %rem3A_167 = vector.broadcast %select_n3A_166 : i32 to vector<16xi32>
    %rem3A_168 = arith.remsi %add3A_161, %rem3A_167 : vector<16xi32>
    %ne3A_169 = arith.constant 0 : i32
    %ne3A_170 = vector.broadcast %ne3A_169 : i32 to vector<16xi32>
    %ne3A_171 = arith.cmpi ne, %rem3A_168, %ne3A_170 : vector<16xi32>
    %lt3A_172 = arith.constant 0 : i32
    %lt3A_173 = vector.broadcast %lt3A_172 : i32 to vector<16xi32>
    %lt3A_174 = arith.cmpi slt, %rem3A_168, %lt3A_173 : vector<16xi32>
    %lt3A_175 = arith.constant 0 : i32
    %lt3A_176 = arith.cmpi slt, %select_n3A_166, %lt3A_175 : i32
    %ne3A_177 = vector.broadcast %lt3A_176 : i1 to vector<16xi1>
    %ne3A_178 = vector.broadcast %ne3A_177 : vector<16xi1> to vector<16xi1>
    %ne3A_179 = arith.xori %lt3A_174, %ne3A_178 : vector<16xi1>
    %and3A_180 = arith.andi %ne3A_179, %ne3A_171 : vector<16xi1>
    %add3A_181 = vector.broadcast %select_n3A_166 : i32 to vector<16xi32>
    %add3A_182 = arith.addi %rem3A_168, %add3A_181 : vector<16xi32>
    %select_n3A_183 = arith.select %and3A_180, %add3A_182, %rem3A_168 : vector<16xi1>, vector<16xi32>
    %add3A_184 = arith.constant 32 : i32
    %add3A_185 = vector.broadcast %add3A_184 : i32 to vector<16xi32>
    %add3A_186 = arith.addi %iota3A, %add3A_185 : vector<16xi32>
    %jit3A_187 = arith.constant 8 : i32
    %eq3A_188 = arith.constant 0 : i32
    %eq3A_189 = arith.cmpi eq, %jit3A_187, %eq3A_188 : i32
    %jit3A_190 = arith.constant 1 : i32
    %select_n3A_191 = arith.select %eq3A_189, %jit3A_190, %jit3A_187 : i32
    %rem3A_192 = vector.broadcast %select_n3A_191 : i32 to vector<16xi32>
    %rem3A_193 = arith.remsi %add3A_186, %rem3A_192 : vector<16xi32>
    %ne3A_194 = arith.constant 0 : i32
    %ne3A_195 = vector.broadcast %ne3A_194 : i32 to vector<16xi32>
    %ne3A_196 = arith.cmpi ne, %rem3A_193, %ne3A_195 : vector<16xi32>
    %lt3A_197 = arith.constant 0 : i32
    %lt3A_198 = vector.broadcast %lt3A_197 : i32 to vector<16xi32>
    %lt3A_199 = arith.cmpi slt, %rem3A_193, %lt3A_198 : vector<16xi32>
    %lt3A_200 = arith.constant 0 : i32
    %lt3A_201 = arith.cmpi slt, %select_n3A_191, %lt3A_200 : i32
    %ne3A_202 = vector.broadcast %lt3A_201 : i1 to vector<16xi1>
    %ne3A_203 = vector.broadcast %ne3A_202 : vector<16xi1> to vector<16xi1>
    %ne3A_204 = arith.xori %lt3A_199, %ne3A_203 : vector<16xi1>
    %and3A_205 = arith.andi %ne3A_204, %ne3A_196 : vector<16xi1>
    %add3A_206 = vector.broadcast %select_n3A_191 : i32 to vector<16xi32>
    %add3A_207 = arith.addi %rem3A_193, %add3A_206 : vector<16xi32>
    %select_n3A_208 = arith.select %and3A_205, %add3A_207, %rem3A_193 : vector<16xi1>, vector<16xi32>
    %add3A_209 = arith.constant 48 : i32
    %add3A_210 = vector.broadcast %add3A_209 : i32 to vector<16xi32>
    %add3A_211 = arith.addi %iota3A, %add3A_210 : vector<16xi32>
    %jit3A_212 = arith.constant 8 : i32
    %eq3A_213 = arith.constant 0 : i32
    %eq3A_214 = arith.cmpi eq, %jit3A_212, %eq3A_213 : i32
    %jit3A_215 = arith.constant 1 : i32
    %select_n3A_216 = arith.select %eq3A_214, %jit3A_215, %jit3A_212 : i32
    %rem3A_217 = vector.broadcast %select_n3A_216 : i32 to vector<16xi32>
    %rem3A_218 = arith.remsi %add3A_211, %rem3A_217 : vector<16xi32>
    %ne3A_219 = arith.constant 0 : i32
    %ne3A_220 = vector.broadcast %ne3A_219 : i32 to vector<16xi32>
    %ne3A_221 = arith.cmpi ne, %rem3A_218, %ne3A_220 : vector<16xi32>
    %lt3A_222 = arith.constant 0 : i32
    %lt3A_223 = vector.broadcast %lt3A_222 : i32 to vector<16xi32>
    %lt3A_224 = arith.cmpi slt, %rem3A_218, %lt3A_223 : vector<16xi32>
    %lt3A_225 = arith.constant 0 : i32
    %lt3A_226 = arith.cmpi slt, %select_n3A_216, %lt3A_225 : i32
    %ne3A_227 = vector.broadcast %lt3A_226 : i1 to vector<16xi1>
    %ne3A_228 = vector.broadcast %ne3A_227 : vector<16xi1> to vector<16xi1>
    %ne3A_229 = arith.xori %lt3A_224, %ne3A_228 : vector<16xi1>
    %and3A_230 = arith.andi %ne3A_229, %ne3A_221 : vector<16xi1>
    %add3A_231 = vector.broadcast %select_n3A_216 : i32 to vector<16xi32>
    %add3A_232 = arith.addi %rem3A_218, %add3A_231 : vector<16xi32>
    %select_n3A_233 = arith.select %and3A_230, %add3A_232, %rem3A_218 : vector<16xi1>, vector<16xi32>
    %add3A_234 = arith.constant 0 : i32
    %add3A_235 = vector.broadcast %add3A_234 : i32 to vector<16xi32>
    %add3A_236 = arith.addi %mul3A_7, %add3A_235 : vector<16xi32>
    %gather3A = tpu.vector_load_idx %arg5[%add3A_236] : memref<25600xi32, #tpu.memory_space<vmem>>[vector<16xi32>], vector<16xi32>,
    %swap3A = arith.constant 0 : index
    %swap3A_237 = tpu.vector_load %arg6[%swap3A] {strides = array<i32>} : memref<128xi32, #tpu.memory_space<vmem>>, vector<16xi32>,
    tpu.vector_store %arg6[%swap3A], %gather3A {strides = array<i32>} : memref<128xi32, #tpu.memory_space<vmem>>, vector<16xi32>,
    %add3A_238 = arith.constant 800 : i32
    %add3A_239 = vector.broadcast %add3A_238 : i32 to vector<16xi32>
    %add3A_240 = arith.addi %mul3A_7, %add3A_239 : vector<16xi32>
    %gather3A_241 = tpu.vector_load_idx %arg5[%add3A_240] : memref<25600xi32, #tpu.memory_space<vmem>>[vector<16xi32>], vector<16xi32>,
    %swap3A_242 = arith.constant 16 : index
    %swap3A_243 = tpu.vector_load %arg6[%swap3A_242] {strides = array<i32>} : memref<128xi32, #tpu.memory_space<vmem>>, vector<16xi32>,
    tpu.vector_store %arg6[%swap3A_242], %gather3A_241 {strides = array<i32>} : memref<128xi32, #tpu.memory_space<vmem>>, vector<16xi32>,
    %add3A_244 = arith.constant 1600 : i32
    %add3A_245 = vector.broadcast %add3A_244 : i32 to vector<16xi32>
    %add3A_246 = arith.addi %mul3A_7, %add3A_245 : vector<16xi32>
    %gather3A_247 = tpu.vector_load_idx %arg5[%add3A_246] : memref<25600xi32, #tpu.memory_space<vmem>>[vector<16xi32>], vector<16xi32>,
    %swap3A_248 = arith.constant 32 : index
    %swap3A_249 = tpu.vector_load %arg6[%swap3A_248] {strides = array<i32>} : memref<128xi32, #tpu.memory_space<vmem>>, vector<16xi32>,
    tpu.vector_store %arg6[%swap3A_248], %gather3A_247 {strides = array<i32>} : memref<128xi32, #tpu.memory_space<vmem>>, vector<16xi32>,
    %add3A_250 = arith.constant 2400 : i32
    %add3A_251 = vector.broadcast %add3A_250 : i32 to vector<16xi32>
    %add3A_252 = arith.addi %mul3A_7, %add3A_251 : vector<16xi32>
    %gather3A_253 = tpu.vector_load_idx %arg5[%add3A_252] : memref<25600xi32, #tpu.memory_space<vmem>>[vector<16xi32>], vector<16xi32>,
    %swap3A_254 = arith.constant 48 : index
    %swap3A_255 = tpu.vector_load %arg6[%swap3A_254] {strides = array<i32>} : memref<128xi32, #tpu.memory_space<vmem>>, vector<16xi32>,
    tpu.vector_store %arg6[%swap3A_254], %gather3A_253 {strides = array<i32>} : memref<128xi32, #tpu.memory_space<vmem>>, vector<16xi32>,
    %add3A_256 = arith.constant 3200 : i32
    %add3A_257 = vector.broadcast %add3A_256 : i32 to vector<16xi32>
    %add3A_258 = arith.addi %mul3A_7, %add3A_257 : vector<16xi32>
    %gather3A_259 = tpu.vector_load_idx %arg5[%add3A_258] : memref<25600xi32, #tpu.memory_space<vmem>>[vector<16xi32>], vector<16xi32>,
    %swap3A_260 = arith.constant 64 : index
    %swap3A_261 = tpu.vector_load %arg6[%swap3A_260] {strides = array<i32>} : memref<128xi32, #tpu.memory_space<vmem>>, vector<16xi32>,
    tpu.vector_store %arg6[%swap3A_260], %gather3A_259 {strides = array<i32>} : memref<128xi32, #tpu.memory_space<vmem>>, vector<16xi32>,
    %add3A_262 = arith.constant 4000 : i32
    %add3A_263 = vector.broadcast %add3A_262 : i32 to vector<16xi32>
    %add3A_264 = arith.addi %mul3A_7, %add3A_263 : vector<16xi32>
    %gather3A_265 = tpu.vector_load_idx %arg5[%add3A_264] : memref<25600xi32, #tpu.memory_space<vmem>>[vector<16xi32>], vector<16xi32>,
    %swap3A_266 = arith.constant 80 : index
    %swap3A_267 = tpu.vector_load %arg6[%swap3A_266] {strides = array<i32>} : memref<128xi32, #tpu.memory_space<vmem>>, vector<16xi32>,
    tpu.vector_store %arg6[%swap3A_266], %gather3A_265 {strides = array<i32>} : memref<128xi32, #tpu.memory_space<vmem>>, vector<16xi32>,
    %add3A_268 = arith.constant 4800 : i32
    %add3A_269 = vector.broadcast %add3A_268 : i32 to vector<16xi32>
    %add3A_270 = arith.addi %mul3A_7, %add3A_269 : vector<16xi32>
    %gather3A_271 = tpu.vector_load_idx %arg5[%add3A_270] : memref<25600xi32, #tpu.memory_space<vmem>>[vector<16xi32>], vector<16xi32>,
    %swap3A_272 = arith.constant 96 : index
    %swap3A_273 = tpu.vector_load %arg6[%swap3A_272] {strides = array<i32>} : memref<128xi32, #tpu.memory_space<vmem>>, vector<16xi32>,
    tpu.vector_store %arg6[%swap3A_272], %gather3A_271 {strides = array<i32>} : memref<128xi32, #tpu.memory_space<vmem>>, vector<16xi32>,
    %add3A_274 = arith.constant 5600 : i32
    %add3A_275 = vector.broadcast %add3A_274 : i32 to vector<16xi32>
    %add3A_276 = arith.addi %mul3A_7, %add3A_275 : vector<16xi32>
    %gather3A_277 = tpu.vector_load_idx %arg5[%add3A_276] : memref<25600xi32, #tpu.memory_space<vmem>>[vector<16xi32>], vector<16xi32>,
    %swap3A_278 = arith.constant 112 : index
    %swap3A_279 = tpu.vector_load %arg6[%swap3A_278] {strides = array<i32>} : memref<128xi32, #tpu.memory_space<vmem>>, vector<16xi32>,
    tpu.vector_store %arg6[%swap3A_278], %gather3A_277 {strides = array<i32>} : memref<128xi32, #tpu.memory_space<vmem>>, vector<16xi32>,
    %dma_start3A = arith.constant 0 : i32
    %dma_start3A_280 = arith.constant 0 : i32
    %dma_start3A_281 = tpu.memref_slice %arg3[%dma_start3A, %dma_start3A_280] : memref<1000000x64xf32, #tpu.memory_space<hbm>> -> memref<1000000x64xf32, #tpu.memory_space<hbm>>
    tpu.enqueue_indirect_dma source(%dma_start3A_281 : memref<1000000x64xf32, #tpu.memory_space<hbm>>) target(%arg8 : memref<128x64xf32, #tpu.memory_space<vmem>>) offsets(%arg6 : memref<128xi32, #tpu.memory_space<vmem>>) semaphore(%arg12 : memref<!tpu.dma_semaphore, #tpu.memory_space<semaphore_mem>>)
    %scan3A = arith.constant 0 : i32
    %scan3A_282 = arith.constant 0 : i32
    %scan3A_283 = arith.constant 100 : i32
    %scan3A_284 = arith.addi %scan3A_282, %scan3A_283 : i32
    %scan3A_285 = arith.constant 1 : i32
    scf.for %scan3A_326 = %scan3A_282 to %scan3A_284 step %scan3A_285  : i32 {
      %mul3A_327 = arith.constant 2 : i32
      %mul3A_328 = arith.muli %mul3A_327, %scan3A_326 : i32
      %add3A_329 = arith.constant 0 : i32
      %add3A_330 = arith.addi %mul3A_328, %add3A_329 : i32
      %add3A_331 = arith.constant 1 : i32
      %add3A_332 = arith.addi %add3A_330, %add3A_331 : i32
      %jit3A_333 = arith.constant 4 : i32
      %div3A_334 = arith.divsi %add3A_332, %jit3A_333 : i32
      %sign3A_335 = arith.constant 0 : i32
      %sign3A_336 = arith.cmpi sgt, %add3A_332, %sign3A_335 : i32
      %sign3A_337 = arith.extui %sign3A_336 : i1 to i32
      %sign3A_338 = arith.constant 0 : i32
      %sign3A_339 = arith.cmpi slt, %add3A_332, %sign3A_338 : i32
      %sign3A_340 = arith.extui %sign3A_339 : i1 to i32
      %sign3A_341 = arith.subi %sign3A_337, %sign3A_340 : i32
      %sign3A_342 = arith.constant 0 : i32
      %sign3A_343 = arith.cmpi sgt, %jit3A_333, %sign3A_342 : i32
      %sign3A_344 = arith.extui %sign3A_343 : i1 to i32
      %sign3A_345 = arith.constant 0 : i32
      %sign3A_346 = arith.cmpi slt, %jit3A_333, %sign3A_345 : i32
      %sign3A_347 = arith.extui %sign3A_346 : i1 to i32
      %sign3A_348 = arith.subi %sign3A_344, %sign3A_347 : i32
      %ne3A_349 = arith.cmpi ne, %sign3A_341, %sign3A_348 : i32
      %rem3A_350 = arith.remsi %add3A_332, %jit3A_333 : i32
      %ne3A_351 = arith.constant 0 : i32
      %ne3A_352 = arith.cmpi ne, %rem3A_350, %ne3A_351 : i32
      %and3A_353 = arith.andi %ne3A_349, %ne3A_352 : i1
      %sub3A_354 = arith.constant 1 : i32
      %sub3A_355 = arith.subi %div3A_334, %sub3A_354 : i32
      %select_n3A_356 = arith.select %and3A_353, %sub3A_355, %div3A_334 : i32
      %jit3A_357 = arith.constant 4 : i32
      %eq3A_358 = arith.constant 0 : i32
      %eq3A_359 = arith.cmpi eq, %jit3A_357, %eq3A_358 : i32
      %jit3A_360 = arith.constant 1 : i32
      %select_n3A_361 = arith.select %eq3A_359, %jit3A_360, %jit3A_357 : i32
      %rem3A_362 = arith.remsi %add3A_332, %select_n3A_361 : i32
      %ne3A_363 = arith.constant 0 : i32
      %ne3A_364 = arith.cmpi ne, %rem3A_362, %ne3A_363 : i32
      %lt3A_365 = arith.constant 0 : i32
      %lt3A_366 = arith.cmpi slt, %rem3A_362, %lt3A_365 : i32
      %lt3A_367 = arith.constant 0 : i32
      %lt3A_368 = arith.cmpi slt, %select_n3A_361, %lt3A_367 : i32
      %ne3A_369 = arith.xori %lt3A_366, %lt3A_368 : i1
      %and3A_370 = arith.andi %ne3A_369, %ne3A_364 : i1
      %add3A_371 = arith.addi %rem3A_362, %select_n3A_361 : i32
      %select_n3A_372 = arith.select %and3A_370, %add3A_371, %rem3A_362 : i32
      %mul3A_373 = arith.constant 6400 : i32
      %mul3A_374 = arith.muli %select_n3A_372, %mul3A_373 : i32
      %add3A_375 = arith.addi %mul3A_374, %select_n3A_356 : i32
      %add3A_376 = arith.constant 0 : i32
      %add3A_377 = arith.addi %add3A_375, %add3A_376 : i32
      %add3A_378 = vector.broadcast %add3A_377 : i32 to vector<16xi32>
      %add3A_379 = arith.addi %mul3A_7, %add3A_378 : vector<16xi32>
      %gather3A_380 = tpu.vector_load_idx %arg5[%add3A_379] : memref<25600xi32, #tpu.memory_space<vmem>>[vector<16xi32>], vector<16xi32>,
      %swap3A_381 = arith.constant 0 : index
      %swap3A_382 = tpu.vector_load %arg7[%swap3A_381] {strides = array<i32>} : memref<128xi32, #tpu.memory_space<vmem>>, vector<16xi32>,
      tpu.vector_store %arg7[%swap3A_381], %gather3A_380 {strides = array<i32>} : memref<128xi32, #tpu.memory_space<vmem>>, vector<16xi32>,
      %add3A_383 = arith.constant 800 : i32
      %add3A_384 = arith.addi %add3A_375, %add3A_383 : i32
      %add3A_385 = vector.broadcast %add3A_384 : i32 to vector<16xi32>
      %add3A_386 = arith.addi %mul3A_7, %add3A_385 : vector<16xi32>
      %gather3A_387 = tpu.vector_load_idx %arg5[%add3A_386] : memref<25600xi32, #tpu.memory_space<vmem>>[vector<16xi32>], vector<16xi32>,
      %swap3A_388 = arith.constant 16 : index
      %swap3A_389 = tpu.vector_load %arg7[%swap3A_388] {strides = array<i32>} : memref<128xi32, #tpu.memory_space<vmem>>, vector<16xi32>,
      tpu.vector_store %arg7[%swap3A_388], %gather3A_387 {strides = array<i32>} : memref<128xi32, #tpu.memory_space<vmem>>, vector<16xi32>,
      %add3A_390 = arith.constant 1600 : i32
      %add3A_391 = arith.addi %add3A_375, %add3A_390 : i32
      %add3A_392 = vector.broadcast %add3A_391 : i32 to vector<16xi32>
      %add3A_393 = arith.addi %mul3A_7, %add3A_392 : vector<16xi32>
      %gather3A_394 = tpu.vector_load_idx %arg5[%add3A_393] : memref<25600xi32, #tpu.memory_space<vmem>>[vector<16xi32>], vector<16xi32>,
      %swap3A_395 = arith.constant 32 : index
      %swap3A_396 = tpu.vector_load %arg7[%swap3A_395] {strides = array<i32>} : memref<128xi32, #tpu.memory_space<vmem>>, vector<16xi32>,
      tpu.vector_store %arg7[%swap3A_395], %gather3A_394 {strides = array<i32>} : memref<128xi32, #tpu.memory_space<vmem>>, vector<16xi32>,
      %add3A_397 = arith.constant 2400 : i32
      %add3A_398 = arith.addi %add3A_375, %add3A_397 : i32
      %add3A_399 = vector.broadcast %add3A_398 : i32 to vector<16xi32>
      %add3A_400 = arith.addi %mul3A_7, %add3A_399 : vector<16xi32>
      %gather3A_401 = tpu.vector_load_idx %arg5[%add3A_400] : memref<25600xi32, #tpu.memory_space<vmem>>[vector<16xi32>], vector<16xi32>,
      %swap3A_402 = arith.constant 48 : index
      %swap3A_403 = tpu.vector_load %arg7[%swap3A_402] {strides = array<i32>} : memref<128xi32, #tpu.memory_space<vmem>>, vector<16xi32>,
      tpu.vector_store %arg7[%swap3A_402], %gather3A_401 {strides = array<i32>} : memref<128xi32, #tpu.memory_space<vmem>>, vector<16xi32>,
      %add3A_404 = arith.constant 3200 : i32
      %add3A_405 = arith.addi %add3A_375, %add3A_404 : i32
      %add3A_406 = vector.broadcast %add3A_405 : i32 to vector<16xi32>
      %add3A_407 = arith.addi %mul3A_7, %add3A_406 : vector<16xi32>
      %gather3A_408 = tpu.vector_load_idx %arg5[%add3A_407] : memref<25600xi32, #tpu.memory_space<vmem>>[vector<16xi32>], vector<16xi32>,
      %swap3A_409 = arith.constant 64 : index
      %swap3A_410 = tpu.vector_load %arg7[%swap3A_409] {strides = array<i32>} : memref<128xi32, #tpu.memory_space<vmem>>, vector<16xi32>,
      tpu.vector_store %arg7[%swap3A_409], %gather3A_408 {strides = array<i32>} : memref<128xi32, #tpu.memory_space<vmem>>, vector<16xi32>,
      %add3A_411 = arith.constant 4000 : i32
      %add3A_412 = arith.addi %add3A_375, %add3A_411 : i32
      %add3A_413 = vector.broadcast %add3A_412 : i32 to vector<16xi32>
      %add3A_414 = arith.addi %mul3A_7, %add3A_413 : vector<16xi32>
      %gather3A_415 = tpu.vector_load_idx %arg5[%add3A_414] : memref<25600xi32, #tpu.memory_space<vmem>>[vector<16xi32>], vector<16xi32>,
      %swap3A_416 = arith.constant 80 : index
      %swap3A_417 = tpu.vector_load %arg7[%swap3A_416] {strides = array<i32>} : memref<128xi32, #tpu.memory_space<vmem>>, vector<16xi32>,
      tpu.vector_store %arg7[%swap3A_416], %gather3A_415 {strides = array<i32>} : memref<128xi32, #tpu.memory_space<vmem>>, vector<16xi32>,
      %add3A_418 = arith.constant 4800 : i32
      %add3A_419 = arith.addi %add3A_375, %add3A_418 : i32
      %add3A_420 = vector.broadcast %add3A_419 : i32 to vector<16xi32>
      %add3A_421 = arith.addi %mul3A_7, %add3A_420 : vector<16xi32>
      %gather3A_422 = tpu.vector_load_idx %arg5[%add3A_421] : memref<25600xi32, #tpu.memory_space<vmem>>[vector<16xi32>], vector<16xi32>,
      %swap3A_423 = arith.constant 96 : index
      %swap3A_424 = tpu.vector_load %arg7[%swap3A_423] {strides = array<i32>} : memref<128xi32, #tpu.memory_space<vmem>>, vector<16xi32>,
      tpu.vector_store %arg7[%swap3A_423], %gather3A_422 {strides = array<i32>} : memref<128xi32, #tpu.memory_space<vmem>>, vector<16xi32>,
      %add3A_425 = arith.constant 5600 : i32
      %add3A_426 = arith.addi %add3A_375, %add3A_425 : i32
      %add3A_427 = vector.broadcast %add3A_426 : i32 to vector<16xi32>
      %add3A_428 = arith.addi %mul3A_7, %add3A_427 : vector<16xi32>
      %gather3A_429 = tpu.vector_load_idx %arg5[%add3A_428] : memref<25600xi32, #tpu.memory_space<vmem>>[vector<16xi32>], vector<16xi32>,
      %swap3A_430 = arith.constant 112 : index
      %swap3A_431 = tpu.vector_load %arg7[%swap3A_430] {strides = array<i32>} : memref<128xi32, #tpu.memory_space<vmem>>, vector<16xi32>,
      tpu.vector_store %arg7[%swap3A_430], %gather3A_429 {strides = array<i32>} : memref<128xi32, #tpu.memory_space<vmem>>, vector<16xi32>,
      %dma_start3A_432 = arith.constant 0 : i32
      %dma_start3A_433 = arith.constant 0 : i32
      %dma_start3A_434 = tpu.memref_slice %arg3[%dma_start3A_432, %dma_start3A_433] : memref<1000000x64xf32, #tpu.memory_space<hbm>> -> memref<1000000x64xf32, #tpu.memory_space<hbm>>
      tpu.enqueue_indirect_dma source(%dma_start3A_434 : memref<1000000x64xf32, #tpu.memory_space<hbm>>) target(%arg9 : memref<128x64xf32, #tpu.memory_space<vmem>>) offsets(%arg7 : memref<128xi32, #tpu.memory_space<vmem>>) semaphore(%arg13 : memref<!tpu.dma_semaphore, #tpu.memory_space<semaphore_mem>>)
      %dma_wait3A_435 = arith.constant 0 : i32
      %dma_wait3A_436 = arith.constant 0 : i32
      %dma_wait3A_437 = tpu.memref_slice %arg3[%dma_wait3A_435, %dma_wait3A_436] : memref<1000000x64xf32, #tpu.memory_space<hbm>> -> memref<128x64xf32, #tpu.memory_space<hbm>>
      %dma_wait3A_438 = arith.constant 0 : i32
      %dma_wait3A_439 = arith.constant 0 : i32
      %dma_wait3A_440 = tpu.memref_slice %arg3[%dma_wait3A_438, %dma_wait3A_439] : memref<1000000x64xf32, #tpu.memory_space<hbm>> -> memref<128x64xf32, #tpu.memory_space<hbm>>
      tpu.wait_dma2 semaphore(%arg12 : memref<!tpu.dma_semaphore, #tpu.memory_space<semaphore_mem>>) src(%dma_wait3A_440 : memref<128x64xf32, #tpu.memory_space<hbm>>) dst(%arg8 : memref<128x64xf32, #tpu.memory_space<vmem>>)
      %gt3A = arith.constant 0 : i32
      %gt3A_441 = arith.cmpi sgt, %scan3A_326, %gt3A : i32
      %convert_element_type3A = arith.extui %gt3A_441 : i1 to i32
      %cond3A = arith.constant 0 : i32
      %cond3A_442 = arith.cmpi ne, %convert_element_type3A, %cond3A : i32
      scf.if %cond3A_442 {
        %dma_wait3A_590 = arith.constant 0 : i32
        %dma_wait3A_591 = arith.constant 0 : i32
        %dma_wait3A_592 = arith.constant 0 : i32
        %dma_wait3A_593 = arith.constant 0 : i32
        %dma_wait3A_594 = arith.constant 0 : i32
        %dma_wait3A_595 = tpu.memref_slice %arg10[%dma_wait3A_592, %dma_wait3A_593, %dma_wait3A_594] : memref<8x8x129xf32, #tpu.memory_space<vmem>> -> memref<8x8x128xf32, #tpu.memory_space<vmem>>
        %dma_wait3A_596 = arith.constant 0 : i32
        %dma_wait3A_597 = arith.constant 0 : i32
        %dma_wait3A_598 = arith.constant 0 : i32
        %dma_wait3A_599 = tpu.memref_slice %arg4[%dma_wait3A_590, %dma_wait3A_596, %dma_wait3A_591, %dma_wait3A_597, %dma_wait3A_598] : memref<50x8x128x8x128xf32, #tpu.memory_space<hbm>> -> memref<1x8x1x8x128xf32, #tpu.memory_space<hbm>>
        %dma_wait3A_600 = tpu.memref_squeeze %dma_wait3A_599 : memref<1x8x1x8x128xf32, #tpu.memory_space<hbm>> -> memref<8x8x128xf32, #tpu.memory_space<hbm>>
        %dma_wait3A_601 = arith.constant 0 : i32
        %dma_wait3A_602 = arith.constant 0 : i32
        %dma_wait3A_603 = arith.constant 0 : i32
        %dma_wait3A_604 = tpu.memref_slice %arg4[%dma_wait3A_590, %dma_wait3A_601, %dma_wait3A_591, %dma_wait3A_602, %dma_wait3A_603] : memref<50x8x128x8x128xf32, #tpu.memory_space<hbm>> -> memref<1x8x1x8x128xf32, #tpu.memory_space<hbm>>
        %dma_wait3A_605 = tpu.memref_squeeze %dma_wait3A_604 : memref<1x8x1x8x128xf32, #tpu.memory_space<hbm>> -> memref<8x8x128xf32, #tpu.memory_space<hbm>>
        %dma_wait3A_606 = arith.constant 0 : i32
        %dma_wait3A_607 = arith.constant 0 : i32
        %dma_wait3A_608 = arith.constant 0 : i32
        %dma_wait3A_609 = tpu.memref_slice %arg10[%dma_wait3A_606, %dma_wait3A_607, %dma_wait3A_608] : memref<8x8x129xf32, #tpu.memory_space<vmem>> -> memref<8x8x128xf32, #tpu.memory_space<vmem>>
        tpu.wait_dma2 semaphore(%arg14 : memref<!tpu.dma_semaphore, #tpu.memory_space<semaphore_mem>>) src(%dma_wait3A_609 : memref<8x8x128xf32, #tpu.memory_space<vmem>>) dst(%dma_wait3A_605 : memref<8x8x128xf32, #tpu.memory_space<hbm>>)
      } else {
      }
      %parallel_loop3A = arith.constant 0 : i32
      %parallel_loop3A_443 = arith.constant 128 : i32
      %parallel_loop3A_444 = arith.constant 1 : i32
      scf.for %parallel_loop3A_590 = %parallel_loop3A to %parallel_loop3A_443 step %parallel_loop3A_444  : i32 {
        %parallel_loop3A_591 = vector.broadcast %parallel_loop3A_590 : i32 to vector<16xi32>
        %parallel_loop3A_592 = arith.index_cast %parallel_loop3A_590 : i32 to index
        %parallel_loop3A_593 = arith.constant 0 : index
        %parallel_loop3A_594 = tpu.vector_load %arg8[%parallel_loop3A_592, %parallel_loop3A_593] {strides = array<i32>} : memref<128x64xf32, #tpu.memory_space<vmem>>, vector<16xf32>,
        tpu.vector_store_idx %arg10[%select_n3A, %select_n3A_158, %parallel_loop3A_591], %parallel_loop3A_594 : memref<8x8x129xf32, #tpu.memory_space<vmem>>[vector<16xi32>, vector<16xi32>, vector<16xi32>], vector<16xf32>,
        %parallel_loop3A_595 = arith.index_cast %parallel_loop3A_590 : i32 to index
        %parallel_loop3A_596 = arith.constant 16 : index
        %parallel_loop3A_597 = tpu.vector_load %arg8[%parallel_loop3A_595, %parallel_loop3A_596] {strides = array<i32>} : memref<128x64xf32, #tpu.memory_space<vmem>>, vector<16xf32>,
        tpu.vector_store_idx %arg10[%select_n3A_67, %select_n3A_183, %parallel_loop3A_591], %parallel_loop3A_597 : memref<8x8x129xf32, #tpu.memory_space<vmem>>[vector<16xi32>, vector<16xi32>, vector<16xi32>], vector<16xf32>,
        %parallel_loop3A_598 = arith.index_cast %parallel_loop3A_590 : i32 to index
        %parallel_loop3A_599 = arith.constant 32 : index
        %parallel_loop3A_600 = tpu.vector_load %arg8[%parallel_loop3A_598, %parallel_loop3A_599] {strides = array<i32>} : memref<128x64xf32, #tpu.memory_space<vmem>>, vector<16xf32>,
        tpu.vector_store_idx %arg10[%select_n3A_101, %select_n3A_208, %parallel_loop3A_591], %parallel_loop3A_600 : memref<8x8x129xf32, #tpu.memory_space<vmem>>[vector<16xi32>, vector<16xi32>, vector<16xi32>], vector<16xf32>,
        %parallel_loop3A_601 = arith.index_cast %parallel_loop3A_590 : i32 to index
        %parallel_loop3A_602 = arith.constant 48 : index
        %parallel_loop3A_603 = tpu.vector_load %arg8[%parallel_loop3A_601, %parallel_loop3A_602] {strides = array<i32>} : memref<128x64xf32, #tpu.memory_space<vmem>>, vector<16xf32>,
        tpu.vector_store_idx %arg10[%select_n3A_135, %select_n3A_233, %parallel_loop3A_591], %parallel_loop3A_603 : memref<8x8x129xf32, #tpu.memory_space<vmem>>[vector<16xi32>, vector<16xi32>, vector<16xi32>], vector<16xf32>,
      } {sc.loop_unroll_factor = 8 : i64, sc.parallel_access}
      %jit3A_445 = arith.constant 4 : i32
      %div3A_446 = arith.divsi %add3A_330, %jit3A_445 : i32
      %sign3A_447 = arith.constant 0 : i32
      %sign3A_448 = arith.cmpi sgt, %add3A_330, %sign3A_447 : i32
      %sign3A_449 = arith.extui %sign3A_448 : i1 to i32
      %sign3A_450 = arith.constant 0 : i32
      %sign3A_451 = arith.cmpi slt, %add3A_330, %sign3A_450 : i32
      %sign3A_452 = arith.extui %sign3A_451 : i1 to i32
      %sign3A_453 = arith.subi %sign3A_449, %sign3A_452 : i32
      %sign3A_454 = arith.constant 0 : i32
      %sign3A_455 = arith.cmpi sgt, %jit3A_445, %sign3A_454 : i32
      %sign3A_456 = arith.extui %sign3A_455 : i1 to i32
      %sign3A_457 = arith.constant 0 : i32
      %sign3A_458 = arith.cmpi slt, %jit3A_445, %sign3A_457 : i32
      %sign3A_459 = arith.extui %sign3A_458 : i1 to i32
      %sign3A_460 = arith.subi %sign3A_456, %sign3A_459 : i32
      %ne3A_461 = arith.cmpi ne, %sign3A_453, %sign3A_460 : i32
      %rem3A_462 = arith.remsi %add3A_330, %jit3A_445 : i32
      %ne3A_463 = arith.constant 0 : i32
      %ne3A_464 = arith.cmpi ne, %rem3A_462, %ne3A_463 : i32
      %and3A_465 = arith.andi %ne3A_461, %ne3A_464 : i1
      %sub3A_466 = arith.constant 1 : i32
      %sub3A_467 = arith.subi %div3A_446, %sub3A_466 : i32
      %select_n3A_468 = arith.select %and3A_465, %sub3A_467, %div3A_446 : i32
      %jit3A_469 = arith.constant 4 : i32
      %eq3A_470 = arith.constant 0 : i32
      %eq3A_471 = arith.cmpi eq, %jit3A_469, %eq3A_470 : i32
      %jit3A_472 = arith.constant 1 : i32
      %select_n3A_473 = arith.select %eq3A_471, %jit3A_472, %jit3A_469 : i32
      %rem3A_474 = arith.remsi %add3A_330, %select_n3A_473 : i32
      %ne3A_475 = arith.constant 0 : i32
      %ne3A_476 = arith.cmpi ne, %rem3A_474, %ne3A_475 : i32
      %lt3A_477 = arith.constant 0 : i32
      %lt3A_478 = arith.cmpi slt, %rem3A_474, %lt3A_477 : i32
      %lt3A_479 = arith.constant 0 : i32
      %lt3A_480 = arith.cmpi slt, %select_n3A_473, %lt3A_479 : i32
      %ne3A_481 = arith.xori %lt3A_478, %lt3A_480 : i1
      %and3A_482 = arith.andi %ne3A_481, %ne3A_476 : i1
      %add3A_483 = arith.addi %rem3A_474, %select_n3A_473 : i32
      %select_n3A_484 = arith.select %and3A_482, %add3A_483, %rem3A_474 : i32
      %mul3A_485 = arith.constant 4 : i32
      %mul3A_486 = arith.muli %add3A, %mul3A_485 : i32
      %add3A_487 = arith.addi %mul3A_486, %select_n3A_484 : i32
      %dma_start3A_488 = arith.constant 0 : i32
      %dma_start3A_489 = arith.constant 0 : i32
      %dma_start3A_490 = arith.constant 0 : i32
      %dma_start3A_491 = tpu.memref_slice %arg10[%dma_start3A_488, %dma_start3A_489, %dma_start3A_490] : memref<8x8x129xf32, #tpu.memory_space<vmem>> -> memref<8x8x128xf32, #tpu.memory_space<vmem>>
      %dma_start3A_492 = arith.constant 0 : i32
      %dma_start3A_493 = arith.constant 0 : i32
      %dma_start3A_494 = arith.constant 0 : i32
      %dma_start3A_495 = tpu.memref_slice %arg4[%select_n3A_468, %dma_start3A_492, %add3A_487, %dma_start3A_493, %dma_start3A_494] : memref<50x8x128x8x128xf32, #tpu.memory_space<hbm>> -> memref<1x8x1x8x128xf32, #tpu.memory_space<hbm>>
      %dma_start3A_496 = tpu.memref_squeeze %dma_start3A_495 : memref<1x8x1x8x128xf32, #tpu.memory_space<hbm>> -> memref<8x8x128xf32, #tpu.memory_space<hbm>>
      %dma_start3A_497 = arith.constant 0 : i32
      %dma_start3A_498 = arith.constant 0 : i32
      %dma_start3A_499 = arith.constant 0 : i32
      %dma_start3A_500 = tpu.memref_slice %arg4[%select_n3A_468, %dma_start3A_497, %add3A_487, %dma_start3A_498, %dma_start3A_499] : memref<50x8x128x8x128xf32, #tpu.memory_space<hbm>> -> memref<1x8x1x8x128xf32, #tpu.memory_space<hbm>>
      %dma_start3A_501 = tpu.memref_squeeze %dma_start3A_500 : memref<1x8x1x8x128xf32, #tpu.memory_space<hbm>> -> memref<8x8x128xf32, #tpu.memory_space<hbm>>
      %dma_start3A_502 = arith.constant 0 : i32
      %dma_start3A_503 = arith.constant 0 : i32
      %dma_start3A_504 = arith.constant 0 : i32
      %dma_start3A_505 = tpu.memref_slice %arg10[%dma_start3A_502, %dma_start3A_503, %dma_start3A_504] : memref<8x8x129xf32, #tpu.memory_space<vmem>> -> memref<8x8x128xf32, #tpu.memory_space<vmem>>
      tpu.enqueue_dma source(%dma_start3A_505 : memref<8x8x128xf32, #tpu.memory_space<vmem>>) target(%dma_start3A_501 : memref<8x8x128xf32, #tpu.memory_space<hbm>>) target_semaphore(%arg14 : memref<!tpu.dma_semaphore, #tpu.memory_space<semaphore_mem>>)
      %mul3A_506 = arith.constant 2 : i32
      %mul3A_507 = arith.muli %mul3A_506, %scan3A_326 : i32
      %add3A_508 = arith.constant 1 : i32
      %add3A_509 = arith.addi %mul3A_507, %add3A_508 : i32
      %lt3A_510 = arith.constant 99 : i32
      %lt3A_511 = arith.cmpi slt, %scan3A_326, %lt3A_510 : i32
      %convert_element_type3A_512 = arith.extui %lt3A_511 : i1 to i32
      %cond3A_513 = arith.constant 0 : i32
      %cond3A_514 = arith.cmpi ne, %convert_element_type3A_512, %cond3A_513 : i32
      scf.if %cond3A_514 {
        %add3A_590 = arith.constant 1 : i32
        %add3A_591 = arith.addi %add3A_509, %add3A_590 : i32
        %jit3A_592 = arith.constant 4 : i32
        %div3A_593 = arith.divsi %add3A_591, %jit3A_592 : i32
        %sign3A_594 = arith.constant 0 : i32
        %sign3A_595 = arith.cmpi sgt, %add3A_591, %sign3A_594 : i32
        %sign3A_596 = arith.extui %sign3A_595 : i1 to i32
        %sign3A_597 = arith.constant 0 : i32
        %sign3A_598 = arith.cmpi slt, %add3A_591, %sign3A_597 : i32
        %sign3A_599 = arith.extui %sign3A_598 : i1 to i32
        %sign3A_600 = arith.subi %sign3A_596, %sign3A_599 : i32
        %sign3A_601 = arith.constant 0 : i32
        %sign3A_602 = arith.cmpi sgt, %jit3A_592, %sign3A_601 : i32
        %sign3A_603 = arith.extui %sign3A_602 : i1 to i32
        %sign3A_604 = arith.constant 0 : i32
        %sign3A_605 = arith.cmpi slt, %jit3A_592, %sign3A_604 : i32
        %sign3A_606 = arith.extui %sign3A_605 : i1 to i32
        %sign3A_607 = arith.subi %sign3A_603, %sign3A_606 : i32
        %ne3A_608 = arith.cmpi ne, %sign3A_600, %sign3A_607 : i32
        %rem3A_609 = arith.remsi %add3A_591, %jit3A_592 : i32
        %ne3A_610 = arith.constant 0 : i32
        %ne3A_611 = arith.cmpi ne, %rem3A_609, %ne3A_610 : i32
        %and3A_612 = arith.andi %ne3A_608, %ne3A_611 : i1
        %sub3A_613 = arith.constant 1 : i32
        %sub3A_614 = arith.subi %div3A_593, %sub3A_613 : i32
        %select_n3A_615 = arith.select %and3A_612, %sub3A_614, %div3A_593 : i32
        %jit3A_616 = arith.constant 4 : i32
        %eq3A_617 = arith.constant 0 : i32
        %eq3A_618 = arith.cmpi eq, %jit3A_616, %eq3A_617 : i32
        %jit3A_619 = arith.constant 1 : i32
        %select_n3A_620 = arith.select %eq3A_618, %jit3A_619, %jit3A_616 : i32
        %rem3A_621 = arith.remsi %add3A_591, %select_n3A_620 : i32
        %ne3A_622 = arith.constant 0 : i32
        %ne3A_623 = arith.cmpi ne, %rem3A_621, %ne3A_622 : i32
        %lt3A_624 = arith.constant 0 : i32
        %lt3A_625 = arith.cmpi slt, %rem3A_621, %lt3A_624 : i32
        %lt3A_626 = arith.constant 0 : i32
        %lt3A_627 = arith.cmpi slt, %select_n3A_620, %lt3A_626 : i32
        %ne3A_628 = arith.xori %lt3A_625, %lt3A_627 : i1
        %and3A_629 = arith.andi %ne3A_628, %ne3A_623 : i1
        %add3A_630 = arith.addi %rem3A_621, %select_n3A_620 : i32
        %select_n3A_631 = arith.select %and3A_629, %add3A_630, %rem3A_621 : i32
        %mul3A_632 = arith.constant 6400 : i32
        %mul3A_633 = arith.muli %select_n3A_631, %mul3A_632 : i32
        %add3A_634 = arith.addi %mul3A_633, %select_n3A_615 : i32
        %add3A_635 = arith.constant 0 : i32
        %add3A_636 = arith.addi %add3A_634, %add3A_635 : i32
        %add3A_637 = vector.broadcast %add3A_636 : i32 to vector<16xi32>
        %add3A_638 = arith.addi %mul3A_7, %add3A_637 : vector<16xi32>
        %gather3A_639 = tpu.vector_load_idx %arg5[%add3A_638] : memref<25600xi32, #tpu.memory_space<vmem>>[vector<16xi32>], vector<16xi32>,
        %swap3A_640 = arith.constant 0 : index
        %swap3A_641 = tpu.vector_load %arg6[%swap3A_640] {strides = array<i32>} : memref<128xi32, #tpu.memory_space<vmem>>, vector<16xi32>,
        tpu.vector_store %arg6[%swap3A_640], %gather3A_639 {strides = array<i32>} : memref<128xi32, #tpu.memory_space<vmem>>, vector<16xi32>,
        %add3A_642 = arith.constant 800 : i32
        %add3A_643 = arith.addi %add3A_634, %add3A_642 : i32
        %add3A_644 = vector.broadcast %add3A_643 : i32 to vector<16xi32>
        %add3A_645 = arith.addi %mul3A_7, %add3A_644 : vector<16xi32>
        %gather3A_646 = tpu.vector_load_idx %arg5[%add3A_645] : memref<25600xi32, #tpu.memory_space<vmem>>[vector<16xi32>], vector<16xi32>,
        %swap3A_647 = arith.constant 16 : index
        %swap3A_648 = tpu.vector_load %arg6[%swap3A_647] {strides = array<i32>} : memref<128xi32, #tpu.memory_space<vmem>>, vector<16xi32>,
        tpu.vector_store %arg6[%swap3A_647], %gather3A_646 {strides = array<i32>} : memref<128xi32, #tpu.memory_space<vmem>>, vector<16xi32>,
        %add3A_649 = arith.constant 1600 : i32
        %add3A_650 = arith.addi %add3A_634, %add3A_649 : i32
        %add3A_651 = vector.broadcast %add3A_650 : i32 to vector<16xi32>
        %add3A_652 = arith.addi %mul3A_7, %add3A_651 : vector<16xi32>
        %gather3A_653 = tpu.vector_load_idx %arg5[%add3A_652] : memref<25600xi32, #tpu.memory_space<vmem>>[vector<16xi32>], vector<16xi32>,
        %swap3A_654 = arith.constant 32 : index
        %swap3A_655 = tpu.vector_load %arg6[%swap3A_654] {strides = array<i32>} : memref<128xi32, #tpu.memory_space<vmem>>, vector<16xi32>,
        tpu.vector_store %arg6[%swap3A_654], %gather3A_653 {strides = array<i32>} : memref<128xi32, #tpu.memory_space<vmem>>, vector<16xi32>,
        %add3A_656 = arith.constant 2400 : i32
        %add3A_657 = arith.addi %add3A_634, %add3A_656 : i32
        %add3A_658 = vector.broadcast %add3A_657 : i32 to vector<16xi32>
        %add3A_659 = arith.addi %mul3A_7, %add3A_658 : vector<16xi32>
        %gather3A_660 = tpu.vector_load_idx %arg5[%add3A_659] : memref<25600xi32, #tpu.memory_space<vmem>>[vector<16xi32>], vector<16xi32>,
        %swap3A_661 = arith.constant 48 : index
        %swap3A_662 = tpu.vector_load %arg6[%swap3A_661] {strides = array<i32>} : memref<128xi32, #tpu.memory_space<vmem>>, vector<16xi32>,
        tpu.vector_store %arg6[%swap3A_661], %gather3A_660 {strides = array<i32>} : memref<128xi32, #tpu.memory_space<vmem>>, vector<16xi32>,
        %add3A_663 = arith.constant 3200 : i32
        %add3A_664 = arith.addi %add3A_634, %add3A_663 : i32
        %add3A_665 = vector.broadcast %add3A_664 : i32 to vector<16xi32>
        %add3A_666 = arith.addi %mul3A_7, %add3A_665 : vector<16xi32>
        %gather3A_667 = tpu.vector_load_idx %arg5[%add3A_666] : memref<25600xi32, #tpu.memory_space<vmem>>[vector<16xi32>], vector<16xi32>,
        %swap3A_668 = arith.constant 64 : index
        %swap3A_669 = tpu.vector_load %arg6[%swap3A_668] {strides = array<i32>} : memref<128xi32, #tpu.memory_space<vmem>>, vector<16xi32>,
        tpu.vector_store %arg6[%swap3A_668], %gather3A_667 {strides = array<i32>} : memref<128xi32, #tpu.memory_space<vmem>>, vector<16xi32>,
        %add3A_670 = arith.constant 4000 : i32
        %add3A_671 = arith.addi %add3A_634, %add3A_670 : i32
        %add3A_672 = vector.broadcast %add3A_671 : i32 to vector<16xi32>
        %add3A_673 = arith.addi %mul3A_7, %add3A_672 : vector<16xi32>
        %gather3A_674 = tpu.vector_load_idx %arg5[%add3A_673] : memref<25600xi32, #tpu.memory_space<vmem>>[vector<16xi32>], vector<16xi32>,
        %swap3A_675 = arith.constant 80 : index
        %swap3A_676 = tpu.vector_load %arg6[%swap3A_675] {strides = array<i32>} : memref<128xi32, #tpu.memory_space<vmem>>, vector<16xi32>,
        tpu.vector_store %arg6[%swap3A_675], %gather3A_674 {strides = array<i32>} : memref<128xi32, #tpu.memory_space<vmem>>, vector<16xi32>,
        %add3A_677 = arith.constant 4800 : i32
        %add3A_678 = arith.addi %add3A_634, %add3A_677 : i32
        %add3A_679 = vector.broadcast %add3A_678 : i32 to vector<16xi32>
        %add3A_680 = arith.addi %mul3A_7, %add3A_679 : vector<16xi32>
        %gather3A_681 = tpu.vector_load_idx %arg5[%add3A_680] : memref<25600xi32, #tpu.memory_space<vmem>>[vector<16xi32>], vector<16xi32>,
        %swap3A_682 = arith.constant 96 : index
        %swap3A_683 = tpu.vector_load %arg6[%swap3A_682] {strides = array<i32>} : memref<128xi32, #tpu.memory_space<vmem>>, vector<16xi32>,
        tpu.vector_store %arg6[%swap3A_682], %gather3A_681 {strides = array<i32>} : memref<128xi32, #tpu.memory_space<vmem>>, vector<16xi32>,
        %add3A_684 = arith.constant 5600 : i32
        %add3A_685 = arith.addi %add3A_634, %add3A_684 : i32
        %add3A_686 = vector.broadcast %add3A_685 : i32 to vector<16xi32>
        %add3A_687 = arith.addi %mul3A_7, %add3A_686 : vector<16xi32>
        %gather3A_688 = tpu.vector_load_idx %arg5[%add3A_687] : memref<25600xi32, #tpu.memory_space<vmem>>[vector<16xi32>], vector<16xi32>,
        %swap3A_689 = arith.constant 112 : index
        %swap3A_690 = tpu.vector_load %arg6[%swap3A_689] {strides = array<i32>} : memref<128xi32, #tpu.memory_space<vmem>>, vector<16xi32>,
        tpu.vector_store %arg6[%swap3A_689], %gather3A_688 {strides = array<i32>} : memref<128xi32, #tpu.memory_space<vmem>>, vector<16xi32>,
        %dma_start3A_691 = arith.constant 0 : i32
        %dma_start3A_692 = arith.constant 0 : i32
        %dma_start3A_693 = tpu.memref_slice %arg3[%dma_start3A_691, %dma_start3A_692] : memref<1000000x64xf32, #tpu.memory_space<hbm>> -> memref<1000000x64xf32, #tpu.memory_space<hbm>>
        tpu.enqueue_indirect_dma source(%dma_start3A_693 : memref<1000000x64xf32, #tpu.memory_space<hbm>>) target(%arg8 : memref<128x64xf32, #tpu.memory_space<vmem>>) offsets(%arg6 : memref<128xi32, #tpu.memory_space<vmem>>) semaphore(%arg12 : memref<!tpu.dma_semaphore, #tpu.memory_space<semaphore_mem>>)
      } else {
      }
      %dma_wait3A_515 = arith.constant 0 : i32
      %dma_wait3A_516 = arith.constant 0 : i32
      %dma_wait3A_517 = tpu.memref_slice %arg3[%dma_wait3A_515, %dma_wait3A_516] : memref<1000000x64xf32, #tpu.memory_space<hbm>> -> memref<128x64xf32, #tpu.memory_space<hbm>>
      %dma_wait3A_518 = arith.constant 0 : i32
      %dma_wait3A_519 = arith.constant 0 : i32
      %dma_wait3A_520 = tpu.memref_slice %arg3[%dma_wait3A_518, %dma_wait3A_519] : memref<1000000x64xf32, #tpu.memory_space<hbm>> -> memref<128x64xf32, #tpu.memory_space<hbm>>
      tpu.wait_dma2 semaphore(%arg13 : memref<!tpu.dma_semaphore, #tpu.memory_space<semaphore_mem>>) src(%dma_wait3A_520 : memref<128x64xf32, #tpu.memory_space<hbm>>) dst(%arg9 : memref<128x64xf32, #tpu.memory_space<vmem>>)
      %gt3A_521 = arith.constant 0 : i32
      %gt3A_522 = arith.cmpi sgt, %scan3A_326, %gt3A_521 : i32
      %convert_element_type3A_523 = arith.extui %gt3A_522 : i1 to i32
      %cond3A_524 = arith.constant 0 : i32
      %cond3A_525 = arith.cmpi ne, %convert_element_type3A_523, %cond3A_524 : i32
      scf.if %cond3A_525 {
        %dma_wait3A_590 = arith.constant 0 : i32
        %dma_wait3A_591 = arith.constant 0 : i32
        %dma_wait3A_592 = arith.constant 0 : i32
        %dma_wait3A_593 = arith.constant 0 : i32
        %dma_wait3A_594 = arith.constant 0 : i32
        %dma_wait3A_595 = tpu.memref_slice %arg11[%dma_wait3A_592, %dma_wait3A_593, %dma_wait3A_594] : memref<8x8x129xf32, #tpu.memory_space<vmem>> -> memref<8x8x128xf32, #tpu.memory_space<vmem>>
        %dma_wait3A_596 = arith.constant 0 : i32
        %dma_wait3A_597 = arith.constant 0 : i32
        %dma_wait3A_598 = arith.constant 0 : i32
        %dma_wait3A_599 = tpu.memref_slice %arg4[%dma_wait3A_590, %dma_wait3A_596, %dma_wait3A_591, %dma_wait3A_597, %dma_wait3A_598] : memref<50x8x128x8x128xf32, #tpu.memory_space<hbm>> -> memref<1x8x1x8x128xf32, #tpu.memory_space<hbm>>
        %dma_wait3A_600 = tpu.memref_squeeze %dma_wait3A_599 : memref<1x8x1x8x128xf32, #tpu.memory_space<hbm>> -> memref<8x8x128xf32, #tpu.memory_space<hbm>>
        %dma_wait3A_601 = arith.constant 0 : i32
        %dma_wait3A_602 = arith.constant 0 : i32
        %dma_wait3A_603 = arith.constant 0 : i32
        %dma_wait3A_604 = tpu.memref_slice %arg4[%dma_wait3A_590, %dma_wait3A_601, %dma_wait3A_591, %dma_wait3A_602, %dma_wait3A_603] : memref<50x8x128x8x128xf32, #tpu.memory_space<hbm>> -> memref<1x8x1x8x128xf32, #tpu.memory_space<hbm>>
        %dma_wait3A_605 = tpu.memref_squeeze %dma_wait3A_604 : memref<1x8x1x8x128xf32, #tpu.memory_space<hbm>> -> memref<8x8x128xf32, #tpu.memory_space<hbm>>
        %dma_wait3A_606 = arith.constant 0 : i32
        %dma_wait3A_607 = arith.constant 0 : i32
        %dma_wait3A_608 = arith.constant 0 : i32
        %dma_wait3A_609 = tpu.memref_slice %arg11[%dma_wait3A_606, %dma_wait3A_607, %dma_wait3A_608] : memref<8x8x129xf32, #tpu.memory_space<vmem>> -> memref<8x8x128xf32, #tpu.memory_space<vmem>>
        tpu.wait_dma2 semaphore(%arg15 : memref<!tpu.dma_semaphore, #tpu.memory_space<semaphore_mem>>) src(%dma_wait3A_609 : memref<8x8x128xf32, #tpu.memory_space<vmem>>) dst(%dma_wait3A_605 : memref<8x8x128xf32, #tpu.memory_space<hbm>>)
      } else {
      }
      %parallel_loop3A_526 = arith.constant 0 : i32
      %parallel_loop3A_527 = arith.constant 128 : i32
      %parallel_loop3A_528 = arith.constant 1 : i32
      scf.for %parallel_loop3A_590 = %parallel_loop3A_526 to %parallel_loop3A_527 step %parallel_loop3A_528  : i32 {
        %parallel_loop3A_591 = vector.broadcast %parallel_loop3A_590 : i32 to vector<16xi32>
        %parallel_loop3A_592 = arith.index_cast %parallel_loop3A_590 : i32 to index
        %parallel_loop3A_593 = arith.constant 0 : index
        %parallel_loop3A_594 = tpu.vector_load %arg9[%parallel_loop3A_592, %parallel_loop3A_593] {strides = array<i32>} : memref<128x64xf32, #tpu.memory_space<vmem>>, vector<16xf32>,
        tpu.vector_store_idx %arg11[%select_n3A, %select_n3A_158, %parallel_loop3A_591], %parallel_loop3A_594 : memref<8x8x129xf32, #tpu.memory_space<vmem>>[vector<16xi32>, vector<16xi32>, vector<16xi32>], vector<16xf32>,
        %parallel_loop3A_595 = arith.index_cast %parallel_loop3A_590 : i32 to index
        %parallel_loop3A_596 = arith.constant 16 : index
        %parallel_loop3A_597 = tpu.vector_load %arg9[%parallel_loop3A_595, %parallel_loop3A_596] {strides = array<i32>} : memref<128x64xf32, #tpu.memory_space<vmem>>, vector<16xf32>,
        tpu.vector_store_idx %arg11[%select_n3A_67, %select_n3A_183, %parallel_loop3A_591], %parallel_loop3A_597 : memref<8x8x129xf32, #tpu.memory_space<vmem>>[vector<16xi32>, vector<16xi32>, vector<16xi32>], vector<16xf32>,
        %parallel_loop3A_598 = arith.index_cast %parallel_loop3A_590 : i32 to index
        %parallel_loop3A_599 = arith.constant 32 : index
        %parallel_loop3A_600 = tpu.vector_load %arg9[%parallel_loop3A_598, %parallel_loop3A_599] {strides = array<i32>} : memref<128x64xf32, #tpu.memory_space<vmem>>, vector<16xf32>,
        tpu.vector_store_idx %arg11[%select_n3A_101, %select_n3A_208, %parallel_loop3A_591], %parallel_loop3A_600 : memref<8x8x129xf32, #tpu.memory_space<vmem>>[vector<16xi32>, vector<16xi32>, vector<16xi32>], vector<16xf32>,
        %parallel_loop3A_601 = arith.index_cast %parallel_loop3A_590 : i32 to index
        %parallel_loop3A_602 = arith.constant 48 : index
        %parallel_loop3A_603 = tpu.vector_load %arg9[%parallel_loop3A_601, %parallel_loop3A_602] {strides = array<i32>} : memref<128x64xf32, #tpu.memory_space<vmem>>, vector<16xf32>,
        tpu.vector_store_idx %arg11[%select_n3A_135, %select_n3A_233, %parallel_loop3A_591], %parallel_loop3A_603 : memref<8x8x129xf32, #tpu.memory_space<vmem>>[vector<16xi32>, vector<16xi32>, vector<16xi32>], vector<16xf32>,
      } {sc.loop_unroll_factor = 8 : i64, sc.parallel_access}
      %jit3A_529 = arith.constant 4 : i32
      %div3A_530 = arith.divsi %add3A_509, %jit3A_529 : i32
      %sign3A_531 = arith.constant 0 : i32
      %sign3A_532 = arith.cmpi sgt, %add3A_509, %sign3A_531 : i32
      %sign3A_533 = arith.extui %sign3A_532 : i1 to i32
      %sign3A_534 = arith.constant 0 : i32
      %sign3A_535 = arith.cmpi slt, %add3A_509, %sign3A_534 : i32
      %sign3A_536 = arith.extui %sign3A_535 : i1 to i32
      %sign3A_537 = arith.subi %sign3A_533, %sign3A_536 : i32
      %sign3A_538 = arith.constant 0 : i32
      %sign3A_539 = arith.cmpi sgt, %jit3A_529, %sign3A_538 : i32
      %sign3A_540 = arith.extui %sign3A_539 : i1 to i32
      %sign3A_541 = arith.constant 0 : i32
      %sign3A_542 = arith.cmpi slt, %jit3A_529, %sign3A_541 : i32
      %sign3A_543 = arith.extui %sign3A_542 : i1 to i32
      %sign3A_544 = arith.subi %sign3A_540, %sign3A_543 : i32
      %ne3A_545 = arith.cmpi ne, %sign3A_537, %sign3A_544 : i32
      %rem3A_546 = arith.remsi %add3A_509, %jit3A_529 : i32
      %ne3A_547 = arith.constant 0 : i32
      %ne3A_548 = arith.cmpi ne, %rem3A_546, %ne3A_547 : i32
      %and3A_549 = arith.andi %ne3A_545, %ne3A_548 : i1
      %sub3A_550 = arith.constant 1 : i32
      %sub3A_551 = arith.subi %div3A_530, %sub3A_550 : i32
      %select_n3A_552 = arith.select %and3A_549, %sub3A_551, %div3A_530 : i32
      %jit3A_553 = arith.constant 4 : i32
      %eq3A_554 = arith.constant 0 : i32
      %eq3A_555 = arith.cmpi eq, %jit3A_553, %eq3A_554 : i32
      %jit3A_556 = arith.constant 1 : i32
      %select_n3A_557 = arith.select %eq3A_555, %jit3A_556, %jit3A_553 : i32
      %rem3A_558 = arith.remsi %add3A_509, %select_n3A_557 : i32
      %ne3A_559 = arith.constant 0 : i32
      %ne3A_560 = arith.cmpi ne, %rem3A_558, %ne3A_559 : i32
      %lt3A_561 = arith.constant 0 : i32
      %lt3A_562 = arith.cmpi slt, %rem3A_558, %lt3A_561 : i32
      %lt3A_563 = arith.constant 0 : i32
      %lt3A_564 = arith.cmpi slt, %select_n3A_557, %lt3A_563 : i32
      %ne3A_565 = arith.xori %lt3A_562, %lt3A_564 : i1
      %and3A_566 = arith.andi %ne3A_565, %ne3A_560 : i1
      %add3A_567 = arith.addi %rem3A_558, %select_n3A_557 : i32
      %select_n3A_568 = arith.select %and3A_566, %add3A_567, %rem3A_558 : i32
      %mul3A_569 = arith.constant 4 : i32
      %mul3A_570 = arith.muli %add3A, %mul3A_569 : i32
      %add3A_571 = arith.addi %mul3A_570, %select_n3A_568 : i32
      %dma_start3A_572 = arith.constant 0 : i32
      %dma_start3A_573 = arith.constant 0 : i32
      %dma_start3A_574 = arith.constant 0 : i32
      %dma_start3A_575 = tpu.memref_slice %arg11[%dma_start3A_572, %dma_start3A_573, %dma_start3A_574] : memref<8x8x129xf32, #tpu.memory_space<vmem>> -> memref<8x8x128xf32, #tpu.memory_space<vmem>>
      %dma_start3A_576 = arith.constant 0 : i32
      %dma_start3A_577 = arith.constant 0 : i32
      %dma_start3A_578 = arith.constant 0 : i32
      %dma_start3A_579 = tpu.memref_slice %arg4[%select_n3A_552, %dma_start3A_576, %add3A_571, %dma_start3A_577, %dma_start3A_578] : memref<50x8x128x8x128xf32, #tpu.memory_space<hbm>> -> memref<1x8x1x8x128xf32, #tpu.memory_space<hbm>>
      %dma_start3A_580 = tpu.memref_squeeze %dma_start3A_579 : memref<1x8x1x8x128xf32, #tpu.memory_space<hbm>> -> memref<8x8x128xf32, #tpu.memory_space<hbm>>
      %dma_start3A_581 = arith.constant 0 : i32
      %dma_start3A_582 = arith.constant 0 : i32
      %dma_start3A_583 = arith.constant 0 : i32
      %dma_start3A_584 = tpu.memref_slice %arg4[%select_n3A_552, %dma_start3A_581, %add3A_571, %dma_start3A_582, %dma_start3A_583] : memref<50x8x128x8x128xf32, #tpu.memory_space<hbm>> -> memref<1x8x1x8x128xf32, #tpu.memory_space<hbm>>
      %dma_start3A_585 = tpu.memref_squeeze %dma_start3A_584 : memref<1x8x1x8x128xf32, #tpu.memory_space<hbm>> -> memref<8x8x128xf32, #tpu.memory_space<hbm>>
      %dma_start3A_586 = arith.constant 0 : i32
      %dma_start3A_587 = arith.constant 0 : i32
      %dma_start3A_588 = arith.constant 0 : i32
      %dma_start3A_589 = tpu.memref_slice %arg11[%dma_start3A_586, %dma_start3A_587, %dma_start3A_588] : memref<8x8x129xf32, #tpu.memory_space<vmem>> -> memref<8x8x128xf32, #tpu.memory_space<vmem>>
      tpu.enqueue_dma source(%dma_start3A_589 : memref<8x8x128xf32, #tpu.memory_space<vmem>>) target(%dma_start3A_585 : memref<8x8x128xf32, #tpu.memory_space<hbm>>) target_semaphore(%arg15 : memref<!tpu.dma_semaphore, #tpu.memory_space<semaphore_mem>>)
    }
    %scan3A_286 = arith.constant 100 : i32
    %dma_wait3A = arith.constant 0 : i32
    %dma_wait3A_287 = arith.constant 0 : i32
    %dma_wait3A_288 = arith.constant 0 : i32
    %dma_wait3A_289 = arith.constant 0 : i32
    %dma_wait3A_290 = arith.constant 0 : i32
    %dma_wait3A_291 = tpu.memref_slice %arg10[%dma_wait3A_288, %dma_wait3A_289, %dma_wait3A_290] : memref<8x8x129xf32, #tpu.memory_space<vmem>> -> memref<8x8x128xf32, #tpu.memory_space<vmem>>
    %dma_wait3A_292 = arith.constant 0 : i32
    %dma_wait3A_293 = arith.constant 0 : i32
    %dma_wait3A_294 = arith.constant 0 : i32
    %dma_wait3A_295 = tpu.memref_slice %arg4[%dma_wait3A, %dma_wait3A_292, %dma_wait3A_287, %dma_wait3A_293, %dma_wait3A_294] : memref<50x8x128x8x128xf32, #tpu.memory_space<hbm>> -> memref<1x8x1x8x128xf32, #tpu.memory_space<hbm>>
    %dma_wait3A_296 = tpu.memref_squeeze %dma_wait3A_295 : memref<1x8x1x8x128xf32, #tpu.memory_space<hbm>> -> memref<8x8x128xf32, #tpu.memory_space<hbm>>
    %dma_wait3A_297 = arith.constant 0 : i32
    %dma_wait3A_298 = arith.constant 0 : i32
    %dma_wait3A_299 = arith.constant 0 : i32
    %dma_wait3A_300 = tpu.memref_slice %arg4[%dma_wait3A, %dma_wait3A_297, %dma_wait3A_287, %dma_wait3A_298, %dma_wait3A_299] : memref<50x8x128x8x128xf32, #tpu.memory_space<hbm>> -> memref<1x8x1x8x128xf32, #tpu.memory_space<hbm>>
    %dma_wait3A_301 = tpu.memref_squeeze %dma_wait3A_300 : memref<1x8x1x8x128xf32, #tpu.memory_space<hbm>> -> memref<8x8x128xf32, #tpu.memory_space<hbm>>
    %dma_wait3A_302 = arith.constant 0 : i32
    %dma_wait3A_303 = arith.constant 0 : i32
    %dma_wait3A_304 = arith.constant 0 : i32
    %dma_wait3A_305 = tpu.memref_slice %arg10[%dma_wait3A_302, %dma_wait3A_303, %dma_wait3A_304] : memref<8x8x129xf32, #tpu.memory_space<vmem>> -> memref<8x8x128xf32, #tpu.memory_space<vmem>>
    tpu.wait_dma2 semaphore(%arg14 : memref<!tpu.dma_semaphore, #tpu.memory_space<semaphore_mem>>) src(%dma_wait3A_305 : memref<8x8x128xf32, #tpu.memory_space<vmem>>) dst(%dma_wait3A_301 : memref<8x8x128xf32, #tpu.memory_space<hbm>>)
    %dma_wait3A_306 = arith.constant 0 : i32
    %dma_wait3A_307 = arith.constant 0 : i32
    %dma_wait3A_308 = arith.constant 0 : i32
    %dma_wait3A_309 = arith.constant 0 : i32
    %dma_wait3A_310 = arith.constant 0 : i32
    %dma_wait3A_311 = tpu.memref_slice %arg11[%dma_wait3A_308, %dma_wait3A_309, %dma_wait3A_310] : memref<8x8x129xf32, #tpu.memory_space<vmem>> -> memref<8x8x128xf32, #tpu.memory_space<vmem>>
    %dma_wait3A_312 = arith.constant 0 : i32
    %dma_wait3A_313 = arith.constant 0 : i32
    %dma_wait3A_314 = arith.constant 0 : i32
    %dma_wait3A_315 = tpu.memref_slice %arg4[%dma_wait3A_306, %dma_wait3A_312, %dma_wait3A_307, %dma_wait3A_313, %dma_wait3A_314] : memref<50x8x128x8x128xf32, #tpu.memory_space<hbm>> -> memref<1x8x1x8x128xf32, #tpu.memory_space<hbm>>
    %dma_wait3A_316 = tpu.memref_squeeze %dma_wait3A_315 : memref<1x8x1x8x128xf32, #tpu.memory_space<hbm>> -> memref<8x8x128xf32, #tpu.memory_space<hbm>>
    %dma_wait3A_317 = arith.constant 0 : i32
    %dma_wait3A_318 = arith.constant 0 : i32
    %dma_wait3A_319 = arith.constant 0 : i32
    %dma_wait3A_320 = tpu.memref_slice %arg4[%dma_wait3A_306, %dma_wait3A_317, %dma_wait3A_307, %dma_wait3A_318, %dma_wait3A_319] : memref<50x8x128x8x128xf32, #tpu.memory_space<hbm>> -> memref<1x8x1x8x128xf32, #tpu.memory_space<hbm>>
    %dma_wait3A_321 = tpu.memref_squeeze %dma_wait3A_320 : memref<1x8x1x8x128xf32, #tpu.memory_space<hbm>> -> memref<8x8x128xf32, #tpu.memory_space<hbm>>
    %dma_wait3A_322 = arith.constant 0 : i32
    %dma_wait3A_323 = arith.constant 0 : i32
    %dma_wait3A_324 = arith.constant 0 : i32
    %dma_wait3A_325 = tpu.memref_slice %arg11[%dma_wait3A_322, %dma_wait3A_323, %dma_wait3A_324] : memref<8x8x129xf32, #tpu.memory_space<vmem>> -> memref<8x8x128xf32, #tpu.memory_space<vmem>>
    tpu.wait_dma2 semaphore(%arg15 : memref<!tpu.dma_semaphore, #tpu.memory_space<semaphore_mem>>) src(%dma_wait3A_325 : memref<8x8x128xf32, #tpu.memory_space<vmem>>) dst(%dma_wait3A_321 : memref<8x8x128xf32, #tpu.memory_space<hbm>>)
    return
  }
}

</mosaic_0001>

<sc_bundles>
// kernel: kernel.3.cloned.1.call-start
scs
__scs_entry_jumppad:
0x0: {  	(pc) =	sbr.rel $0x88, $3  }
0x1: {  	(tag) =	ssettag $0x0;
	lr =	simm.s32 $0x1  }
0x2: {  	[smem:$0x3F9F] =	sst lr;
	_ =	strace $0xD0000000  }
0x3: {  	_ = 	snop  }
0x4: {  	_ = 	snop  }
0x5: {  	_ = 	snop  }
0x6: {  	_ = 	snop  }
0x7: {  	_ = 	snop  }
__scs_overlays_trampoline_lowered:
0x8: {  	[smem:$0x3FAE] =	sst s0  }
0x9: {  	[smem:$0x3FAF] =	sst s1  }
0xa: {  	[smem:$0x3FB0] =	sst s2  }
0xb: {  	[smem:$0x3FB1] =	sst s3  }
0xc: {  	[smem:$0x3FB2] =	sst s4  }
0xd: {  	[smem:$0x3FB3] =	sst s5  }
0xe: {  	[smem:$0x3FB4] =	sst s6  }
0xf: {  	[smem:$0x3FB5] =	sst s7  }
0x10: {  	[smem:$0x3FB6] =	sst s8  }
0x11: {  	[smem:$0x3FB7] =	sst s9;
	s0 =	simm.s32 @!p0 $0x0  }
0x12: {  	s1 =	sld [smem:$0x3F9D];
	s0 =	simm.s32 @p0 $0x1  }
0x13: {  	[smem:$0x3FB8] =	sst s0;
	s0 =	simm.s32 @!p1 $0x0  }
0x14: {  	s2 =	sld [smem:$0x3F9C];
	s0 =	simm.s32 @p1 $0x1  }
0x15: {  	[smem:$0x3FB9] =	sst s0;
	s0 =	simm.s32 @!p2 $0x0  }
0x16: {  	s3 =	sld [smem:$0x3FDB];
	s0 =	simm.s32 @p2 $0x1  }
0x17: {  	s4 =	simm.s32 $0x1BF5;
	[smem:$0x3FBB] =	sst s0  }
0x18: {  	s0 =	sld [smem:$0x3F9E];
	_ =	swait.ge [sflag:s4], $0x0  }
0x19: {  	s7 =	sld [smem:$0x3F9F]  }
0x1a: {  	s8 =	sadd.s32 $0xFFFFE003, lr  }
0x1b: {  	s9 =	sadd.s32 $0xFFFFFEF7, lr;
	s5 =	simm.s32 $0xFFFFFFFF;
	p2 =	slt.u32 s8, $0xFFFFF086  }
0x1c: {  	p1 =	slt.u32 s9, $0xF7A;
	s5 =	simm.s32 @!p2 $0x0  }
0x1d: {  	s5 =	simm.s32 @p1 $0x1;
	p0 =	seq.s32 s7, s2  }
0x1e: {  	s7 =	smul.u32 @!p0 $0xF7A, s2;
	p2 =	seq.s32 @!p0 s5, $0x0  }
0x1f: {  	s9 =	smul.u32 $0xF7A, s1;
	s8 =	simm.s32 @!p0 $0x1BF5;
	p2 =	por !p2, p0  }
0x20: {  	[sflag:s8] =	ssyncset.s32 @!p0 $0xFFFFF086;
	s6 =	sadd.s32 @!p0 s3, s7;
	s7 =	simm.s32 @!p0 $0x108  }
0x21: {  	s3 =	sadd.s32 s3, s9;
	s6 =	sadd.s32 @!p0 $0x88, s6;
	s7 =	simm.s32 @p2 $0x1082  }
0x22: {  	[simem:s7], [sflag:s8] =	dma.local @!p0 [hbm:s6], $0xF7A  }
0x23: {  	s9 =	sor.u32 $0xD0000000, s2;
	s6 =	simm.s32 $0x108;
	_ =	swait.ge @!p0 [sflag:s8], $0x0  }
0x24: {  	s3 =	sadd.s32 $0x88, s3;
	s6 =	simm.s32 @!p1 $0x1082;
	[sflag:s4] =	ssyncset.s32 $0xFFFFF086  }
0x25: {  	[simem:s6], [sflag:s4] =	dma.local [hbm:s3], $0xF7A  }
0x26: {  	[smem:$0x3F9F] =	sst s1;
	(tag) =	ssettag s2;
	_ =	strace s9  }
0x27: {  	s1 =	sld [smem:$0x3FAF]  }
0x28: {  	s2 =	sld [smem:$0x3FB0]  }
0x29: {  	s4 =	sld [smem:$0x3FB2]  }
0x2a: {  	p0 =	seq.s32 s5, $0x0;
	s5 =	sld [smem:$0x3FB3]  }
0x2b: {  	s6 =	sld [smem:$0x3FB4]  }
0x2c: {  	s7 =	sld [smem:$0x3FB5]  }
0x2d: {  	s3 =	simm.s32 $0x108;
	s8 =	sld [smem:$0x3FB6]  }
0x2e: {  	s3 =	simm.s32 @!p0 $0x1082;
	s9 =	sld [smem:$0x3FB7]  }
0x2f: {  	lr =	sadd.s32 s0, s3;
	s0 =	sld [smem:$0x3FAE]  }
0x30: {  	s3 =	sld [smem:$0x3FB1]  }
0x31: {  	[smem:$0x3FBA] =	sst s10  }
0x32: {  	s10 =	sld [smem:$0x3FB8];
	_ =	sdelay $0x3  }
0x33: {  	p0 =	seq.s32 s10, $0x1;
	s10 =	sld [smem:$0x3FBA];
	_ =	sdelay $0x3  }
0x34: {  	[smem:$0x3FBA] =	sst s10  }
0x35: {  	s10 =	sld [smem:$0x3FB9];
	_ =	sdelay $0x3  }
0x36: {  	p1 =	seq.s32 s10, $0x1;
	s10 =	sld [smem:$0x3FBA];
	_ =	sdelay $0x3  }
0x37: {  	[smem:$0x3FBA] =	sst s10  }
0x38: {  	s10 =	sld [smem:$0x3FBB]  }
0x39: {  	_ = 	snop;
	(pc) =	sbr.ind lr, $3  }
0x3a: {  	_ = 	snop  }
0x3b: {  	_ = 	snop  }
0x3c: {  	p2 =	seq.s32 s10, $0x1;
	s10 =	sld [smem:$0x3FBA]  }
0x3d: {  	_ =	shalt  }
0x3e: {  	_ =	shalt  }
0x3f: {  	_ =	shalt  }
0x40: {  	_ =	shalt  }
0x41: {  	_ =	shalt  }
0x42: {  	_ =	shalt  }
0x43: {  	_ =	shalt  }
0x44: {  	_ =	shalt  }
0x45: {  	_ =	shalt  }
0x46: {  	_ =	shalt  }
0x47: {  	_ =	shalt  }
0x48: {  	_ =	shalt  }
0x49: {  	_ =	shalt  }
0x4a: {  	_ =	shalt  }
0x4b: {  	_ =	shalt  }
0x4c: {  	_ =	shalt  }
0x4d: {  	_ =	shalt  }
0x4e: {  	_ =	shalt  }
0x4f: {  	_ =	shalt  }
0x50: {  	_ =	shalt  }
0x51: {  	_ =	shalt  }
0x52: {  	_ =	shalt  }
0x53: {  	_ =	shalt  }
0x54: {  	_ =	shalt  }
0x55: {  	_ =	shalt  }
0x56: {  	_ =	shalt  }
0x57: {  	_ =	shalt  }
0x58: {  	_ =	shalt  }
0x59: {  	_ =	shalt  }
0x5a: {  	_ =	shalt  }
0x5b: {  	_ =	shalt  }
0x5c: {  	_ =	shalt  }
0x5d: {  	_ =	shalt  }
0x5e: {  	_ =	shalt  }
0x5f: {  	_ =	shalt  }
0x60: {  	_ =	shalt  }
0x61: {  	_ =	shalt  }
0x62: {  	_ =	shalt  }
0x63: {  	_ =	shalt  }
0x64: {  	_ =	shalt  }
0x65: {  	_ =	shalt  }
0x66: {  	_ =	shalt  }
0x67: {  	_ =	shalt  }
0x68: {  	_ =	shalt  }
0x69: {  	_ =	shalt  }
0x6a: {  	_ =	shalt  }
0x6b: {  	_ =	shalt  }
0x6c: {  	_ =	shalt  }
0x6d: {  	_ =	shalt  }
0x6e: {  	_ =	shalt  }
0x6f: {  	_ =	shalt  }
0x70: {  	_ =	shalt  }
0x71: {  	_ =	shalt  }
0x72: {  	_ =	shalt  }
0x73: {  	_ =	shalt  }
0x74: {  	_ =	shalt  }
0x75: {  	_ =	shalt  }
0x76: {  	_ =	shalt  }
0x77: {  	_ =	shalt  }
0x78: {  	_ =	shalt  }
0x79: {  	_ =	shalt  }
0x7a: {  	_ =	shalt  }
0x7b: {  	_ =	shalt  }
0x7c: {  	_ =	shalt  }
0x7d: {  	_ =	shalt  }
0x7e: {  	_ =	shalt  }
0x7f: {  	_ =	shalt  }
0x80: {  	_ =	shalt  }
0x81: {  	_ =	shalt  }
0x82: {  	_ =	shalt  }
0x83: {  	_ =	shalt  }
0x84: {  	_ =	shalt  }
0x85: {  	_ =	shalt  }
0x86: {  	_ =	shalt  }
0x87: {  	_ =	shalt  }
.Lfunc_end0:
.L_simem_size_0:
called_computation_lowered:
.L_overlay_start_0:
0x88: {  	s2 =	sld [smem:$0x3FD9]  }
0x89: {  	s3 =	sld [smem:$0x3FFE];
	_ =	sdelay $0x1  }
0x8a: {  	s1 =	srdreg.scid  }
0x8b: {  	s0 =	sand.u32 $0x1, s1  }
0x8c: {  	s17 =	sshll.u32 s0, $0xA;
	s2 =	sadd.s32 s3, s2  }
0x8d: {  	s2 =	sadd.s32 s2, s17  }
0x8e: {  	[smem:$0x3FC6] =	sst s2  }
0x8f: {  	_ = 	snop  }
0x90: {  	s2 =	sld [smem:$0x3FD0];
	(tm) =	ssettm $0x1  }
0x91: {  	s18 =	sld [smem:$0x3FFB];
	_ =	sdelay $0x3  }
0x92: {  	_ =	strace s18  }
0x93: {  	s3 =	sld [smem:$0x3FFC];
	_ =	sdelay $0x3  }
0x94: {  	_ =	strace s3  }
0x95: {  	s3 =	sld [smem:$0x3FFD];
	_ =	sdelay $0x3  }
0x96: {  	_ =	strace s3  }
0x97: {  	_ =	strace $0x8FFFFFFF  }
0x98: {  	s19 =	sld [smem:$0x3FDB];
	_ =	sdelay $0x1  }
0x99: {  	s4 =	simm.s32 $_scs_section_size  }
0x9a: {  	s5 =	simm.s32 $_size__tile_overlayer_lowered;
	s6 =	simm.s32 $_tile_overlayer_lowered  }
0x9b: {  	s22 =	simm.s32 $0x1BFF;
	s21 =	sshll.u32 s6, $0x1;
	s3 =	sadd.s32 s4, s19  }
0x9c: {  	s7 =	simm.s32 $0x0;
	s20 =	sshll.u32 s5, $0x1;
	s5 =	sadd.s32 s21, s3  }
0x9d: {  	[timem:s7], [sflag:s22] =	dma.local [hbm:s5], s20  }
0x9e: {  	_ =	swait.ge [sflag:s22], s20  }
0x9f: {  	s4 =	ssub.s32 $0x0, s20;
	[sflag:s22] =	ssyncset.done $0x0  }
0xa0: {  	[sflag:s22] =	ssyncadd.s32 s4;
	_ =	sdelay $0x1  }
0xa1: {  	s23 =	simm.s32 $0x1B8B  }
0xa2: {  	_ =	swait.ge [sflag:s23], $0x1  }
0xa3: {  	[sflag:s23] =	ssyncset.done $0x0  }
0xa4: {  	s25 =	simm.s32 $0x1B8E;
	s24 =	sld [smem:$0x3FFE];
	[sflag:s23] =	ssyncadd.s32 $0xFFFFFFFF  }
0xa5: {  	s26 =	simm.s32 $execute0_lowered;
	[smem:$0x3FD2] =	sst s25  }
0xa6: {  	s5 =	sshll.u32 s26, $0x1;
	_ =	strace $0x80000046;
	[dreg:$0x1] =	wrdreg $0xFFFFFFFF  }
0xa7: {  	s28 =	simm.s32 $_size_execute0_lowered;
	s3 =	sadd.s32 s3, s5;
	[dreg:$0x0] =	wrdreg $0x0  }
0xa8: {  	s5 =	sshll.u32 s28, $0x1;
	[dreg:$0x2] =	wrdreg s3  }
0xa9: {  	[dreg:$0x3] =	wrdreg s5  }
0xaa: {  	[dreg:$0x4] =	wrdreg $0xC0  }
0xab: {  	_ =	task [dreg:s7], $0x5FFFF  }
0xac: {  	[dreg:$0x1] =	wrdreg $0xFFFFFFFF  }
0xad: {  	[dreg:$0x0] =	wrdreg $0x60  }
0xae: {  	[dreg:$0x2] =	wrdreg s24  }
0xaf: {  	[dreg:$0x3] =	wrdreg s2  }
0xb0: {  	[dreg:$0x4] =	wrdreg $0x9  }
0xb1: {  	_ =	task.clear_ibuf [dreg:s7], $0x5FFFF;
	_ =	strace $0x90000046  }
0xb2: {  	s29 =	simm.s32 $0x9;
	_ =	strace $0x80000048  }
0xb3: {  	_ =	swait.ge [sflag:s29], $0x1  }
0xb4: {  	[sflag:s29] =	ssyncadd.s32 $0xFFFFFFFF  }
0xb5: {  	_ =	strace $0x90000048  }
0xb6: {  	_ =	sfence  }
0xb7: {  	s30 =	sld [smem:$0x0];
	_ =	sdelay $0x2  }
0xb8: {  	s31 =	sshll.u32 s1, $0xD;
	s1 =	sshrl.u32 s1, $0x2  }
0xb9: {  	s3 =	sand.u32 $0x4000, s31;
	s1 =	sadd.s32 s1, s30  }
0xba: {  	s0 =	sor.u32 s3, s0;
	s1 =	sshll.u32 s1, $0x11  }
0xbb: {  	s0 =	sor.u32 s1, s0  }
0xbc: {  	s0 =	sadd.s32 $0x8F2B, s0  }
0xbd: {  	[sflag:s0] =	ssyncadd.remote.s32 $0x1  }
0xbe: {  	_ =	sfence.sel $0xFFFF  }
0xbf: {  	[dreg:$0x0] =	wrdreg $0xFFFFFFFF;
	(pc) =	sbr.abs _section_cstart, $3  }
0xc0: {  	[dreg:$0x1] =	wrdreg $0xFFFFFFFF  }
0xc1: {  	_ =	task.clear_ibuf [dreg:s7], $0x2FFFF;
	_ =	strace $0x9FFFFFFF  }
0xc2: {  	(tm) =	ssettm $0x7FFFFFFF  }
0xc3: {  	_ =	shalt  }
tec
execute0_lowered:
.L_overlay_start_1:
0x0: {  	(tag) =	ssettag $0x1  }
0x1: {  	v6 =	vlaneseq.u32  }
0x2: {  	v0 =	vmul.u32 $0x32, v6  }
0x3: {  	v9 =	vimm.s32 $0x0;
	vm0 =	vcmask $0x300;
	v6 =	vmul.u32 $0x88, v6  }
0x4: {  	v9 =	vsel vm0, $0x3, v9;
	v1 =	vadd.s32 $0x320, v0;
	v59 =	vadd.s32 $0x640, v0  }
0x5: {  	s1 =	srdreg.scid;
	v60 =	vadd.s32 $0x960, v0;
	v61 =	vadd.s32 $0xC80, v0;
	v62 =	vadd.s32 $0xFA0, v0  }
0x6: {  	s0 =	stileid.u32;
	s4 =	rddreg [dreg:$0x0];
	v63 =	vadd.s32 $0x12C0, v0;
	[tilespmem:$0x1FFE0] =	vst v0;
	v0 =	vadd.s32 $0x15E0, v0;
	v10 =	vadd.s32 $0x880, v6  }
0x7: {  	s2 =	rddreg [dreg:$0x1];
	s3 =	simm.s32 $0x0;
	s10 =	simm.s32 $0x6400;
	v11 =	vadd.s32 $0x1100, v6;
	v12 =	vadd.s32 $0x1980, v6;
	v13 =	vor.u32 $0x1, v6  }
0x8: {  	s9 =	simm.s32 $0x80;
	s11 =	simm.s32 $0x6500;
	s12 =	simm.s32 $0x6480;
	v14 =	vadd.s32 $0x881, v6;
	v15 =	vadd.s32 $0x1101, v6;
	v16 =	vadd.s32 $0x1981, v6;
	[tilespmem:$0x1FF80] =	vst v1  }
0x9: {  	s13 =	simm.s32 $0x8500;
	s14 =	simm.s32 $0x1;
	s15 =	simm.s32 $0xA500;
	v17 =	vor.u32 $0x2, v6;
	v18 =	vadd.s32 $0x882, v6;
	v19 =	vadd.s32 $0x1102, v6;
	[tilespmem:$0x1FF90] =	vst v59  }
0xa: {  	s16 =	simm.s32 $0x2;
	s17 =	simm.s32 $0x4;
	s18 =	simm.s32 $0xC700;
	v20 =	vadd.s32 $0x1982, v6;
	v21 =	vor.u32 $0x3, v6;
	v22 =	vadd.s32 $0x883, v6;
	[tilespmem:$0x1FFA0] =	vst v60  }
0xb: {  	s19 =	simm.s32 $0x3;
	s5 =	sand.u32 $0x1, s1;
	s31 =	sshll.u32 s0, $0x1;
	v23 =	vadd.s32 $0x1103, v6;
	v24 =	vadd.s32 $0x1983, v6;
	v25 =	vor.u32 $0x4, v6;
	[tilespmem:$0x1FFB0] =	vst v61  }
0xc: {  	s20 =	simm.s32 $0x0;
	s6 =	sor.u32 s5, s31;
	s5 =	ssub.s32 $0x2, s5;
	v26 =	vadd.s32 $0x884, v6;
	v27 =	vadd.s32 $0x1104, v6;
	v28 =	vadd.s32 $0x1984, v6;
	[tilespmem:$0x1FFC0] =	vst v62  }
0xd: {  	s1 =	rddreg [dreg:$0x2];
	s7 =	smul.u32 $0xC80, s6;
	s8 =	sshrl.u32 s5, $0x1;
	v29 =	vor.u32 $0x5, v6;
	v30 =	vadd.s32 $0x885, v6;
	v31 =	vadd.s32 $0x1105, v6;
	[tilespmem:$0x1FFD0] =	vst v63  }
0xe: {  	[smem:$0x7FF] =	sst s3;
	s6 =	sshll.u32 s6, $0x2;
	v32 =	vadd.s32 $0x1985, v6;
	v33 =	vor.u32 $0x6, v6;
	v34 =	vadd.s32 $0x886, v6;
	[tilespmem:$0x1FFF0] =	vst v0;
	s8 =	ssub.s32 s5, s8  }
0xf: {  	v35 =	vadd.s32 $0x1106, v6;
	v36 =	vadd.s32 $0x1986, v6;
	v37 =	vor.u32 $0x7, v6;
	_ =	strace $0x80000047;
	s7 =	sadd.s32 s7, s4;
	s4 =	sadd.s32 $0xF42A00, s4  }
0x10: {  	v38 =	vadd.s32 $0x887, v6;
	v39 =	vadd.s32 $0x1107, v6;
	v40 =	vadd.s32 $0x1987, v6;
	s5 =	sadd.s32 $0x600, s7;
	s7 =	smax.u32 s8, $0x1;
	s8 =	simm.s32 $0x5  }
.LBB2_1:
0x11: {  	[tilespmem:s3], [sflag:$0x5] =	stream.linear.gather [hbm4b:s5+s3], $0x6400, $0x38;
	[tilespmem:$0xE900] =	vst v63  }
0x12: {  	_ =	swait.ge [sflag:s8], $0x6400  }
0x13: {  	v0 =	vld [tilespmem:$0x1FFE0];
	_ =	sdelay $0x5  }
0x14: {  	[sflag:s8] =	ssyncset.done $0x0;
	v57 =	vld [tilespmem:$0x1FF80]  }
0x15: {  	[sflag:s8] =	ssyncadd.s32 $0xFFFF9C00  }
0x16: {  	v41 =	vld.idx.msk [tilespmem:v0+s3+$0x0], $0xffff;
	_ =	sdelay $0x3  }
0x17: {  	v58 =	vld [tilespmem:$0x1FF90]  }
0x18: {  	[tilespmem:$0x6400] =	vst v41  }
0x19: {  	v41 =	vld.idx.msk [tilespmem:v57+s3+$0x0], $0xffff;
	_ =	sdelay $0x3  }
0x1a: {  	v59 =	vld [tilespmem:$0x1FFA0]  }
0x1b: {  	[tilespmem:$0x6410] =	vst v41  }
0x1c: {  	v41 =	vld.idx.msk [tilespmem:v58+s3+$0x0], $0xffff;
	_ =	sdelay $0x3  }
0x1d: {  	v60 =	vld [tilespmem:$0x1FFB0]  }
0x1e: {  	[tilespmem:$0x6420] =	vst v41  }
0x1f: {  	v41 =	vld.idx.msk [tilespmem:v59+s3+$0x0], $0xffff;
	_ =	sdelay $0x3  }
0x20: {  	v61 =	vld [tilespmem:$0x1FFC0]  }
0x21: {  	[tilespmem:$0x6430] =	vst v41  }
0x22: {  	v41 =	vld.idx.msk [tilespmem:v60+s3+$0x0], $0xffff;
	_ =	sdelay $0x3  }
0x23: {  	v62 =	vld [tilespmem:$0x1FFD0]  }
0x24: {  	[tilespmem:$0x6440] =	vst v41  }
0x25: {  	v41 =	vld.idx.msk [tilespmem:v61+s3+$0x0], $0xffff;
	_ =	sdelay $0x3  }
0x26: {  	v63 =	vld [tilespmem:$0x1FFF0]  }
0x27: {  	[tilespmem:$0x6450] =	vst v41  }
0x28: {  	v41 =	vld.idx.msk [tilespmem:v62+s3+$0x0], $0xffff;
	_ =	sdelay $0x4  }
0x29: {  	[tilespmem:$0x6460] =	vst v41  }
0x2a: {  	v41 =	vld.idx.msk [tilespmem:v63+s3+$0x0], $0xffff;
	_ =	sdelay $0x4  }
0x2b: {  	s21 =	simm.s32 $0x0;
	[tilespmem:$0x6470] =	vst v41  }
0x2c: {  	[tilespmem:s11], [sflag:$0x1] =	stream.indirect.gather [hbm4b:s4+s9], $0x40, s10, s9, $0xb8;
	[tilespmem:$0xE900] =	vst v63  }
.LBB2_2:
0x2d: {  	s24 =	sshll.u32 s21, $0x1  }
0x2e: {  	v0 =	vld [tilespmem:$0x1FFE0];
	s25 =	sand.u32 $0x2, s24  }
0x2f: {  	s22 =	sor.u32 $0x1, s25  }
0x30: {  	s26 =	smul.u32 $0x1900, s22  }
0x31: {  	s23 =	sshrl.u32 s21, $0x1  }
0x32: {  	s26 =	sadd.s32 s23, s26  }
0x33: {  	v41 =	vadd.s32 s26, v0;
	_ =	sdelay $0x4  }
0x34: {  	s28 =	sadd.s32 $0x320, s26;
	v41 =	vld.idx.msk [tilespmem:v41+s3+$0x0], $0xffff  }
0x35: {  	v42 =	vadd.s32 s28, v0;
	_ =	sdelay $0x3  }
0x36: {  	[tilespmem:$0x6480] =	vst v41  }
0x37: {  	s28 =	sadd.s32 $0x640, s26;
	v41 =	vld.idx.msk [tilespmem:v42+s3+$0x0], $0xffff  }
0x38: {  	v52 =	vadd.s32 s28, v0;
	_ =	sdelay $0x3  }
0x39: {  	[tilespmem:$0x6490] =	vst v41  }
0x3a: {  	s28 =	sadd.s32 $0x960, s26;
	v41 =	vld.idx.msk [tilespmem:v52+s3+$0x0], $0xffff  }
0x3b: {  	v53 =	vadd.s32 s28, v0;
	_ =	sdelay $0x3  }
0x3c: {  	[tilespmem:$0x64A0] =	vst v41  }
0x3d: {  	s28 =	sadd.s32 $0xC80, s26;
	v41 =	vld.idx.msk [tilespmem:v53+s3+$0x0], $0xffff  }
0x3e: {  	v54 =	vadd.s32 s28, v0;
	_ =	sdelay $0x3  }
0x3f: {  	[tilespmem:$0x64B0] =	vst v41  }
0x40: {  	s28 =	sadd.s32 $0xFA0, s26;
	v41 =	vld.idx.msk [tilespmem:v54+s3+$0x0], $0xffff  }
0x41: {  	v55 =	vadd.s32 s28, v0;
	_ =	sdelay $0x3  }
0x42: {  	[tilespmem:$0x64C0] =	vst v41  }
0x43: {  	s28 =	sadd.s32 $0x12C0, s26;
	v41 =	vld.idx.msk [tilespmem:v55+s3+$0x0], $0xffff  }
0x44: {  	v56 =	vadd.s32 s28, v0;
	_ =	sdelay $0x3  }
0x45: {  	[tilespmem:$0x64D0] =	vst v41  }
0x46: {  	s26 =	sadd.s32 $0x15E0, s26;
	v41 =	vld.idx.msk [tilespmem:v56+s3+$0x0], $0xffff  }
0x47: {  	v57 =	vadd.s32 s26, v0;
	_ =	sdelay $0x3  }
0x48: {  	[tilespmem:$0x64E0] =	vst v41  }
0x49: {  	v41 =	vld.idx.msk [tilespmem:v57+s3+$0x0], $0xffff;
	_ =	sdelay $0x3  }
0x4a: {  	s31 =	simm.s32 $0x0;
	s30 =	simm.s32 $0x1  }
0x4b: {  	s29 =	simm.s32 $0x7;
	v58 =	vmov s31;
	v59 =	vmov s30;
	s31 =	simm.s32 $0x3;
	s30 =	simm.s32 $0x5;
	[tilespmem:$0x64F0] =	vst v41  }
0x4c: {  	[tilespmem:s13], [sflag:$0x2] =	stream.indirect.gather [hbm4b:s4+s9], $0x40, s12, s9, $0xb8;
	[tilespmem:$0xE900] =	vst v63  }
0x4d: {  	v46 =	vmov s29;
	v44 =	vmov s31;
	v47 =	vmov s30;
	s31 =	simm.s32 $0x6;
	s28 =	simm.s32 $0x2;
	_ =	swait.ge [sflag:s14], $0x2000  }
0x4e: {  	p0 =	seq.s32 s21, $0x0;
	v46 =	vshrl.u32 v46, $0x3;
	v48 =	vmov s31;
	v43 =	vmov s28;
	s28 =	simm.s32 $0x4;
	[sflag:s14] =	ssyncset.done $0x0  }
0x4f: {  	v46 =	vshll.u32 v46, v9;
	v44 =	vshrl.u32 v44, $0x3;
	v45 =	vmov s28;
	s28 =	simm.s32 @!p0 $0x3;
	[sflag:s14] =	ssyncadd.s32 $0xFFFFE000  }
0x50: {  	v63 =	vshrl.u32 v47, $0x3;
	v46 =	vbroadcast v46, $0x0;
	v41 =	vshrl.u32 v58, $0x3;
	_ =	swait.ge @!p0 [sflag:s28], $0x2000  }
0x51: {  	v61 =	vshll.u32 v44, v9;
	v42 =	vshrl.u32 v59, $0x3;
	v41 =	vshll.u32 v41, v9;
	[sflag:s28] =	ssyncset.done @!p0 $0x0  }
0x52: {  	s26 =	simm.s32 $0x6600;
	v43 =	vshrl.u32 v43, $0x3;
	v42 =	vshll.u32 v42, v9;
	v41 =	vbroadcast v41, $0x0;
	[sflag:s28] =	ssyncadd.s32 @!p0 $0xFFFFE000  }
0x53: {  	v50 =	vadd.s32 v37, v46;
	v60 =	vshll.u32 v43, v9;
	v53 =	vbroadcast v42, $0x0;
	v49 =	vld [tilespmem:s26+$0xC0]  }
0x54: {  	v45 =	vshrl.u32 v45, $0x3;
	v60 =	vbroadcast v60, $0x0;
	v52 =	vadd.s32 v6, v41;
	v51 =	vld [tilespmem:s26+$0xFFFFFF00]  }
0x55: {  	v43 =	vbroadcast v61, $0x0;
	v62 =	vshll.u32 v45, v9;
	v55 =	vadd.s32 v13, v53;
	v54 =	vld [tilespmem:s26+$0xFFFFFF40]  }
0x56: {  	v44 =	vshll.u32 v63, v9;
	v42 =	vbroadcast v62, $0x0;
	v57 =	vadd.s32 v17, v60;
	v56 =	vld [tilespmem:s26+$0xFFFFFF80]  }
0x57: {  	v48 =	vshrl.u32 v48, $0x3;
	v45 =	vbroadcast v44, $0x0;
	v58 =	vadd.s32 v21, v43;
	v47 =	vld [tilespmem:s26+$0xFFFFFFC0]  }
0x58: {  	v0 =	vshll.u32 v48, v9;
	v61 =	vadd.s32 v25, v42;
	v59 =	vld [tilespmem:s26+$0x0];
	[tilespmem:v50+s15+$0x0] =	vst.idx.msk $0xffff, v49  }
0x59: {  	v44 =	vbroadcast v0, $0x0;
	v3 =	vadd.s32 v29, v45;
	v2 =	vld [tilespmem:s26+$0x40];
	[tilespmem:v52+s15+$0x0] =	vst.idx.msk $0xffff, v51  }
0x5a: {  	v1 =	vadd.s32 v38, v46;
	[tilespmem:v55+s15+$0x0] =	vst.idx.msk $0xffff, v54;
	v48 =	vld [tilespmem:s26+$0xD0]  }
0x5b: {  	[tilespmem:v57+s15+$0x0] =	vst.idx.msk $0xffff, v56;
	v52 =	vld [tilespmem:s26+$0x80];
	v54 =	vadd.s32 v33, v44  }
0x5c: {  	v56 =	vadd.s32 v14, v53;
	[tilespmem:v58+s15+$0x0] =	vst.idx.msk $0xffff, v47;
	v55 =	vld [tilespmem:s26+$0xFFFFFF50]  }
0x5d: {  	v63 =	vadd.s32 v18, v60;
	[tilespmem:v61+s15+$0x0] =	vst.idx.msk $0xffff, v59;
	v62 =	vld [tilespmem:s26+$0xFFFFFF90]  }
0x5e: {  	v0 =	vadd.s32 v22, v43;
	[tilespmem:v3+s15+$0x0] =	vst.idx.msk $0xffff, v2;
	v58 =	vld [tilespmem:s26+$0xFFFFFFD0]  }
0x5f: {  	v3 =	vadd.s32 v26, v42;
	v2 =	vld [tilespmem:s26+$0x10];
	[tilespmem:v1+s15+$0x0] =	vst.idx.msk $0xffff, v48  }
0x60: {  	[tilespmem:v54+s15+$0x0] =	vst.idx.msk $0xffff, v52;
	v1 =	vadd.s32 v39, v46;
	v48 =	vld [tilespmem:s26+$0xE0]  }
0x61: {  	v52 =	vld [tilespmem:s26+$0x50];
	v54 =	vadd.s32 v30, v45;
	[tilespmem:v56+s15+$0x0] =	vst.idx.msk $0xffff, v55  }
0x62: {  	[tilespmem:v63+s15+$0x0] =	vst.idx.msk $0xffff, v62;
	v47 =	vld [tilespmem:s26+$0x90];
	v55 =	vadd.s32 v34, v44  }
0x63: {  	v57 =	vadd.s32 v10, v41;
	v56 =	vld [tilespmem:s26+$0xFFFFFF10];
	[tilespmem:v0+s15+$0x0] =	vst.idx.msk $0xffff, v58  }
0x64: {  	v59 =	vadd.s32 v15, v53;
	[tilespmem:v3+s15+$0x0] =	vst.idx.msk $0xffff, v2;
	v58 =	vld [tilespmem:s26+$0xFFFFFF60]  }
0x65: {  	v3 =	vadd.s32 v23, v43;
	v2 =	vld [tilespmem:s26+$0xFFFFFFE0];
	[tilespmem:v1+s15+$0x0] =	vst.idx.msk $0xffff, v48  }
0x66: {  	v46 =	vadd.s32 v40, v46;
	[tilespmem:v54+s15+$0x0] =	vst.idx.msk $0xffff, v52;
	v62 =	vld [tilespmem:s26+$0xF0]  }
0x67: {  	v63 =	vld [tilespmem:s26+$0xFFFFFFA0];
	[tilespmem:v55+s15+$0x0] =	vst.idx.msk $0xffff, v47;
	v1 =	vadd.s32 v19, v60  }
0x68: {  	v5 =	vadd.s32 v27, v42;
	s28 =	simm.s32 $0x8;
	v4 =	vld [tilespmem:s26+$0x20];
	[tilespmem:v57+s15+$0x0] =	vst.idx.msk $0xffff, v56  }
0x69: {  	v61 =	vmov s28;
	s28 =	simm.s32 $0x9;
	v49 =	vadd.s32 v31, v45;
	[tilespmem:v59+s15+$0x0] =	vst.idx.msk $0xffff, v58;
	v48 =	vld [tilespmem:s26+$0x60]  }
0x6a: {  	s29 =	simm.s32 $0xB;
	v51 =	vadd.s32 v35, v44;
	v47 =	vshrl.u32 v61, $0x3;
	v61 =	vmov s28;
	s28 =	simm.s32 $0xA;
	v50 =	vld [tilespmem:s26+$0xA0];
	[tilespmem:v3+s15+$0x0] =	vst.idx.msk $0xffff, v2  }
0x6b: {  	v52 =	vmov s29;
	v56 =	vadd.s32 v11, v41;
	v54 =	vld [tilespmem:s26+$0xFFFFFF20];
	[tilespmem:v46+s15+$0x0] =	vst.idx.msk $0xffff, v62;
	v62 =	vmov s28;
	s28 =	simm.s32 $0xC  }
0x6c: {  	s29 =	simm.s32 $0xD;
	v59 =	vadd.s32 v16, v53;
	v53 =	vshll.u32 v47, v9;
	v57 =	vld [tilespmem:s26+$0xFFFFFF70];
	[tilespmem:v1+s15+$0x0] =	vst.idx.msk $0xffff, v63;
	v55 =	vmov s28;
	s28 =	simm.s32 $0xE  }
0x6d: {  	v60 =	vadd.s32 v20, v60;
	[tilespmem:v5+s15+$0x0] =	vst.idx.msk $0xffff, v4;
	v46 =	vmov s29;
	s29 =	simm.s32 $0xF;
	v58 =	vld [tilespmem:s26+$0xFFFFFFB0];
	v47 =	vmov s28;
	s28 =	simm.s32 $0x10  }
.LBB2_3:
0x6e: {  	p1 =	slt.u32 s28, $0x78;
	v1 =	vshrl.u32 v61, $0x3;
	v2 =	vmov s29;
	v3 =	vld [tilespmem:s26+$0xFFFFFFF0];
	v4 =	vadd.s32 v24, v43;
	[tilespmem:v49+s15+$0x0] =	vst.idx.msk $0xffff, v48  }
0x6f: {  	v5 =	vshrl.u32 v62, $0x3;
	v42 =	vadd.s32 v28, v42;
	v2 =	vshrl.u32 v2, $0x3;
	v43 =	vld [tilespmem:s26+$0x30];
	[tilespmem:v51+s15+$0x0] =	vst.idx.msk $0xffff, v50  }
0x70: {  	v48 =	vshrl.u32 v52, $0x3;
	v45 =	vadd.s32 v32, v45;
	v2 =	vshll.u32 v2, v9;
	[tilespmem:v56+s15+$0x0] =	vst.idx.msk $0xffff, v54;
	v49 =	vld [tilespmem:s26+$0x70]  }
0x71: {  	v44 =	vadd.s32 v36, v44;
	v50 =	vshrl.u32 v55, $0x3;
	v2 =	vbroadcast v2, $0x0;
	[tilespmem:v59+s15+$0x0] =	vst.idx.msk $0xffff, v57;
	v51 =	vld [tilespmem:s26+$0xB0]  }
0x72: {  	v1 =	vshll.u32 v1, v9;
	v54 =	vadd.s32 v12, v41;
	v41 =	vbroadcast v53, $0x0;
	v52 =	vld [tilespmem:s26+$0xFFFFFF30];
	[tilespmem:v60+s15+$0x0] =	vst.idx.msk $0xffff, v58;
	s26 =	sadd.s32 $0x200, s26  }
0x73: {  	v5 =	vshll.u32 v5, v9;
	v1 =	vbroadcast v1, $0x0;
	v53 =	vld [tilespmem:s26+$0xC0];
	v55 =	vadd.s32 v37, v2;
	[tilespmem:v4+s15+$0x0] =	vst.idx.msk $0xffff, v3  }
0x74: {  	v48 =	vshll.u32 v48, v9;
	v5 =	vbroadcast v5, $0x0;
	v4 =	vadd.s32 v6, v41;
	v3 =	vld [tilespmem:s26+$0xFFFFFF00];
	[tilespmem:v42+s15+$0x0] =	vst.idx.msk $0xffff, v43  }
0x75: {  	v57 =	vadd.s32 v13, v1;
	v43 =	vbroadcast v48, $0x0;
	v42 =	vshll.u32 v50, v9;
	v56 =	vld [tilespmem:s26+$0xFFFFFF40];
	[tilespmem:v45+s15+$0x0] =	vst.idx.msk $0xffff, v49  }
0x76: {  	v49 =	vadd.s32 v17, v5;
	v42 =	vbroadcast v42, $0x0;
	v45 =	vshrl.u32 v46, $0x3;
	v48 =	vld [tilespmem:s26+$0xFFFFFF80];
	[tilespmem:v44+s15+$0x0] =	vst.idx.msk $0xffff, v51  }
0x77: {  	v47 =	vshrl.u32 v47, $0x3;
	v50 =	vadd.s32 v21, v43;
	v44 =	vshll.u32 v45, v9;
	v46 =	vld [tilespmem:s26+$0xFFFFFFC0];
	[tilespmem:v54+s15+$0x0] =	vst.idx.msk $0xffff, v52  }
0x78: {  	v52 =	vadd.s32 v25, v42;
	v45 =	vbroadcast v44, $0x0;
	v44 =	vshll.u32 v47, v9;
	v51 =	vld [tilespmem:s26+$0x0];
	[tilespmem:v55+s15+$0x0] =	vst.idx.msk $0xffff, v53  }
0x79: {  	v44 =	vbroadcast v44, $0x0;
	[tilespmem:v4+s15+$0x0] =	vst.idx.msk $0xffff, v3;
	v3 =	vld [tilespmem:s26+$0xD0];
	v4 =	vadd.s32 v38, v2  }
0x7a: {  	v53 =	vadd.s32 v29, v45;
	[tilespmem:v57+s15+$0x0] =	vst.idx.msk $0xffff, v56;
	v47 =	vld [tilespmem:s26+$0x40]  }
0x7b: {  	[tilespmem:v49+s15+$0x0] =	vst.idx.msk $0xffff, v48;
	v48 =	vld [tilespmem:s26+$0x80];
	v49 =	vadd.s32 v33, v44  }
0x7c: {  	v55 =	vadd.s32 v14, v1;
	v54 =	vld [tilespmem:s26+$0xFFFFFF50];
	[tilespmem:v50+s15+$0x0] =	vst.idx.msk $0xffff, v46  }
0x7d: {  	v50 =	vadd.s32 v18, v5;
	v46 =	vld [tilespmem:s26+$0xFFFFFF90];
	[tilespmem:v52+s15+$0x0] =	vst.idx.msk $0xffff, v51  }
0x7e: {  	v52 =	vadd.s32 v22, v43;
	v51 =	vld [tilespmem:s26+$0xFFFFFFD0];
	[tilespmem:v4+s15+$0x0] =	vst.idx.msk $0xffff, v3  }
0x7f: {  	v4 =	vadd.s32 v39, v2;
	[tilespmem:v53+s15+$0x0] =	vst.idx.msk $0xffff, v47;
	v3 =	vld [tilespmem:s26+$0xE0]  }
0x80: {  	v53 =	vadd.s32 v26, v42;
	v47 =	vld [tilespmem:s26+$0x10];
	[tilespmem:v49+s15+$0x0] =	vst.idx.msk $0xffff, v48  }
0x81: {  	v49 =	vadd.s32 v30, v45;
	[tilespmem:v55+s15+$0x0] =	vst.idx.msk $0xffff, v54;
	v48 =	vld [tilespmem:s26+$0x50]  }
0x82: {  	[tilespmem:v50+s15+$0x0] =	vst.idx.msk $0xffff, v46;
	v46 =	vld [tilespmem:s26+$0x90];
	v50 =	vadd.s32 v34, v44  }
0x83: {  	v55 =	vadd.s32 v10, v41;
	v54 =	vld [tilespmem:s26+$0xFFFFFF10];
	[tilespmem:v52+s15+$0x0] =	vst.idx.msk $0xffff, v51  }
0x84: {  	v52 =	vadd.s32 v15, v1;
	v51 =	vld [tilespmem:s26+$0xFFFFFF60];
	[tilespmem:v4+s15+$0x0] =	vst.idx.msk $0xffff, v3  }
0x85: {  	v2 =	vadd.s32 v40, v2;
	[tilespmem:v53+s15+$0x0] =	vst.idx.msk $0xffff, v47;
	v3 =	vld [tilespmem:s26+$0xF0]  }
0x86: {  	v47 =	vadd.s32 v19, v5;
	v4 =	vld [tilespmem:s26+$0xFFFFFFA0];
	[tilespmem:v49+s15+$0x0] =	vst.idx.msk $0xffff, v48  }
0x87: {  	v58 =	vadd.s32 v23, v43;
	v53 =	vld [tilespmem:s26+$0xFFFFFFE0];
	[tilespmem:v50+s15+$0x0] =	vst.idx.msk $0xffff, v46  }
0x88: {  	v7 =	vadd.s32 v27, v42;
	[tilespmem:v55+s15+$0x0] =	vst.idx.msk $0xffff, v54;
	v63 =	vld [tilespmem:s26+$0x20]  }
.Ltmp0:
0x89: {  	s29 =	sadd.s32 $0x1, s28;
	v49 =	vadd.s32 v31, v45;
	v46 =	vmov s28;
	[tilespmem:v52+s15+$0x0] =	vst.idx.msk $0xffff, v51;
	v48 =	vld [tilespmem:s26+$0x60];
	(pc) =	sbr.rel @p1 .LBB2_3-.Ltmp0, $4  }
0x8a: {  	s30 =	sadd.s32 $0x3, s28;
	v61 =	vmov s29;
	s29 =	sadd.s32 $0x2, s28;
	v60 =	vshrl.u32 v46, $0x3;
	v51 =	vadd.s32 v35, v44;
	v50 =	vld [tilespmem:s26+$0xA0];
	[tilespmem:v2+s15+$0x0] =	vst.idx.msk $0xffff, v3  }
0x8b: {  	v62 =	vmov s29;
	s29 =	sadd.s32 $0x4, s28;
	v56 =	vadd.s32 v11, v41;
	v52 =	vmov s30;
	s30 =	sadd.s32 $0x5, s28;
	v54 =	vld [tilespmem:s26+$0xFFFFFF20];
	[tilespmem:v47+s15+$0x0] =	vst.idx.msk $0xffff, v4  }
0x8c: {  	v59 =	vadd.s32 v16, v1;
	v55 =	vmov s29;
	s29 =	sadd.s32 $0x6, s28;
	v46 =	vmov s30;
	v57 =	vld [tilespmem:s26+$0xFFFFFF70];
	[tilespmem:v58+s15+$0x0] =	vst.idx.msk $0xffff, v53  }
0x8d: {  	v47 =	vmov s29;
	s29 =	sadd.s32 $0x7, s28;
	s28 =	sadd.s32 $0x8, s28;
	v53 =	vshll.u32 v60, v9;
	v60 =	vadd.s32 v20, v5;
	v58 =	vld [tilespmem:s26+$0xFFFFFFB0];
	[tilespmem:v7+s15+$0x0] =	vst.idx.msk $0xffff, v63  }
0x8e: {  	_ =	sdelay $0x2  }
0x8f: {  	v1 =	vshrl.u32 v61, $0x3  }
0x90: {  	v2 =	vmov s29;
	v3 =	vld [tilespmem:s26+$0xFFFFFFF0];
	v4 =	vadd.s32 v24, v43;
	[tilespmem:v49+s15+$0x0] =	vst.idx.msk $0xffff, v48;
	v5 =	vshrl.u32 v62, $0x3  }
0x91: {  	v7 =	vld [tilespmem:s26+$0x30];
	v42 =	vadd.s32 v28, v42;
	v62 =	vshrl.u32 v52, $0x3;
	v2 =	vshrl.u32 v2, $0x3;
	[tilespmem:v51+s15+$0x0] =	vst.idx.msk $0xffff, v50  }
0x92: {  	v45 =	vadd.s32 v32, v45;
	v63 =	vshrl.u32 v55, $0x3;
	v48 =	vld [tilespmem:s26+$0x70];
	v2 =	vshll.u32 v2, v9;
	[tilespmem:v56+s15+$0x0] =	vst.idx.msk $0xffff, v54  }
0x93: {  	v44 =	vadd.s32 v36, v44;
	v1 =	vshll.u32 v1, v9;
	v50 =	vld [tilespmem:s26+$0xB0];
	v2 =	vbroadcast v2, $0x0;
	[tilespmem:v59+s15+$0x0] =	vst.idx.msk $0xffff, v57  }
0x94: {  	v41 =	vadd.s32 v12, v41;
	s31 =	sadd.s32 $0x200, s26;
	v46 =	vshrl.u32 v46, $0x3;
	v1 =	vbroadcast v1, $0x0;
	v57 =	vld [tilespmem:s26+$0xFFFFFF30];
	[tilespmem:v60+s15+$0x0] =	vst.idx.msk $0xffff, v58  }
0x95: {  	v51 =	vbroadcast v53, $0x0;
	v5 =	vshll.u32 v5, v9;
	v53 =	vld [tilespmem:s31+$0xC0];
	v58 =	vadd.s32 v37, v2;
	[tilespmem:v4+s15+$0x0] =	vst.idx.msk $0xffff, v3  }
0x96: {  	v43 =	vshll.u32 v62, v9;
	v5 =	vbroadcast v5, $0x0;
	v60 =	vadd.s32 v13, v1;
	[tilespmem:v42+s15+$0x0] =	vst.idx.msk $0xffff, v7;
	v7 =	vld [tilespmem:s31+$0xFFFFFF40]  }
0x97: {  	v49 =	vshll.u32 v63, v9;
	v43 =	vbroadcast v43, $0x0;
	v59 =	vld [tilespmem:s31+$0xFFFFFF00];
	v4 =	vadd.s32 v6, v51;
	[tilespmem:v45+s15+$0x0] =	vst.idx.msk $0xffff, v48  }
0x98: {  	v61 =	vld [tilespmem:s31+$0xFFFFFF80];
	v46 =	vshll.u32 v46, v9;
	v49 =	vbroadcast v49, $0x0;
	v62 =	vadd.s32 v17, v5;
	[tilespmem:v44+s15+$0x0] =	vst.idx.msk $0xffff, v50  }
0x99: {  	v47 =	vshrl.u32 v47, $0x3;
	v46 =	vbroadcast v46, $0x0;
	v63 =	vadd.s32 v21, v43;
	v44 =	vld [tilespmem:s31+$0xFFFFFFC0];
	[tilespmem:v41+s15+$0x0] =	vst.idx.msk $0xffff, v57  }
0x9a: {  	v47 =	vshll.u32 v47, v9;
	v41 =	vld [tilespmem:s31+$0x0];
	v57 =	vadd.s32 v25, v49;
	[tilespmem:v58+s15+$0x0] =	vst.idx.msk $0xffff, v53  }
0x9b: {  	v3 =	vbroadcast v47, $0x0;
	[tilespmem:v60+s15+$0x0] =	vst.idx.msk $0xffff, v7;
	v7 =	vld [tilespmem:s31+$0x40];
	v58 =	vadd.s32 v29, v46  }
0x9c: {  	v0 =	vadd.s32 v38, v2;
	[tilespmem:v4+s15+$0x0] =	vst.idx.msk $0xffff, v59;
	v4 =	vld [tilespmem:s31+$0xD0]  }
0x9d: {  	[tilespmem:v62+s15+$0x0] =	vst.idx.msk $0xffff, v61;
	v59 =	vld [tilespmem:s31+$0x80];
	v60 =	vadd.s32 v33, v3  }
0x9e: {  	v62 =	vadd.s32 v14, v1;
	v61 =	vld [tilespmem:s31+$0xFFFFFF50];
	[tilespmem:v63+s15+$0x0] =	vst.idx.msk $0xffff, v44  }
0x9f: {  	v56 =	vadd.s32 v18, v5;
	v63 =	vld [tilespmem:s31+$0xFFFFFF90];
	[tilespmem:v57+s15+$0x0] =	vst.idx.msk $0xffff, v41  }
0xa0: {  	v41 =	vld [tilespmem:s31+$0xFFFFFFD0];
	v57 =	vadd.s32 v22, v43;
	[tilespmem:v58+s15+$0x0] =	vst.idx.msk $0xffff, v7  }
0xa1: {  	v42 =	vld [tilespmem:s31+$0x10];
	[tilespmem:v0+s15+$0x0] =	vst.idx.msk $0xffff, v4;
	v0 =	vadd.s32 v26, v49  }
0xa2: {  	[tilespmem:v60+s15+$0x0] =	vst.idx.msk $0xffff, v59;
	v59 =	vadd.s32 v30, v46;
	v58 =	vld [tilespmem:s31+$0x50]  }
0xa3: {  	v7 =	vadd.s32 v39, v2;
	[tilespmem:v62+s15+$0x0] =	vst.idx.msk $0xffff, v61;
	v4 =	vld [tilespmem:s31+$0xE0]  }
0xa4: {  	v60 =	vld [tilespmem:s31+$0x90];
	v61 =	vadd.s32 v34, v3;
	[tilespmem:v56+s15+$0x0] =	vst.idx.msk $0xffff, v63  }
0xa5: {  	v62 =	vld [tilespmem:s31+$0xFFFFFF10];
	v63 =	vadd.s32 v10, v51;
	[tilespmem:v57+s15+$0x0] =	vst.idx.msk $0xffff, v41  }
0xa6: {  	v56 =	vld [tilespmem:s31+$0xFFFFFF60];
	v57 =	vadd.s32 v15, v1;
	[tilespmem:v0+s15+$0x0] =	vst.idx.msk $0xffff, v42  }
0xa7: {  	v45 =	vld [tilespmem:s31+$0xFFFFFFE0];
	[tilespmem:v59+s15+$0x0] =	vst.idx.msk $0xffff, v58;
	v58 =	vadd.s32 v23, v43  }
0xa8: {  	v42 =	vadd.s32 v19, v5;
	[tilespmem:v7+s15+$0x0] =	vst.idx.msk $0xffff, v4;
	v7 =	vld [tilespmem:s31+$0xFFFFFFA0]  }
0xa9: {  	v2 =	vadd.s32 v40, v2;
	[tilespmem:v61+s15+$0x0] =	vst.idx.msk $0xffff, v60;
	v4 =	vld [tilespmem:s31+$0xF0]  }
0xaa: {  	v60 =	vadd.s32 v27, v49;
	[tilespmem:v63+s15+$0x0] =	vst.idx.msk $0xffff, v62;
	v59 =	vld [tilespmem:s31+$0x20]  }
0xab: {  	v61 =	vld [tilespmem:s31+$0x60];
	v62 =	vadd.s32 v31, v46;
	[tilespmem:v57+s15+$0x0] =	vst.idx.msk $0xffff, v56  }
0xac: {  	v63 =	vld [tilespmem:s31+$0xA0];
	v56 =	vadd.s32 v35, v3;
	[tilespmem:v58+s15+$0x0] =	vst.idx.msk $0xffff, v45  }
0xad: {  	v1 =	vadd.s32 v16, v1;
	[tilespmem:v42+s15+$0x0] =	vst.idx.msk $0xffff, v7;
	v7 =	vld [tilespmem:s31+$0xFFFFFF70]  }
0xae: {  	v57 =	vld [tilespmem:s31+$0xFFFFFF20];
	[tilespmem:v2+s15+$0x0] =	vst.idx.msk $0xffff, v4;
	v4 =	vadd.s32 v11, v51  }
0xaf: {  	v43 =	vadd.s32 v24, v43;
	[tilespmem:v60+s15+$0x0] =	vst.idx.msk $0xffff, v59;
	v58 =	vld [tilespmem:s31+$0xFFFFFFF0]  }
0xb0: {  	v5 =	vadd.s32 v20, v5;
	[tilespmem:v62+s15+$0x0] =	vst.idx.msk $0xffff, v61;
	v42 =	vld [tilespmem:s31+$0xFFFFFFB0]  }
0xb1: {  	v60 =	vadd.s32 v28, v49;
	v59 =	vld [tilespmem:s31+$0x30];
	[tilespmem:v56+s15+$0x0] =	vst.idx.msk $0xffff, v63  }
0xb2: {  	v3 =	vadd.s32 v36, v3;
	v62 =	vld [tilespmem:s31+$0xB0];
	[tilespmem:v1+s15+$0x0] =	vst.idx.msk $0xffff, v7  }
0xb3: {  	v61 =	vld [tilespmem:s31+$0x70];
	[tilespmem:v4+s15+$0x0] =	vst.idx.msk $0xffff, v57;
	v4 =	vadd.s32 v32, v46  }
0xb4: {  	v63 =	vadd.s32 v12, v51;
	[tilespmem:v43+s15+$0x0] =	vst.idx.msk $0xffff, v58;
	v7 =	vld [tilespmem:s31+$0xFFFFFF30]  }
0xb5: {  	[tilespmem:v5+s15+$0x0] =	vst.idx.msk $0xffff, v42  }
0xb6: {  	[tilespmem:v60+s15+$0x0] =	vst.idx.msk $0xffff, v59;
	s31 =	sshll.u32 s21, $0x10  }
0xb7: {  	s25 =	sor.u32 s6, s25;
	[tilespmem:v3+s15+$0x0] =	vst.idx.msk $0xffff, v62;
	s26 =	sand.u32 $0x7E0000, s31  }
0xb8: {  	s25 =	sshll.u32 s25, $0x7;
	s26 =	sadd.s32 s2, s26;
	[tilespmem:v4+s15+$0x0] =	vst.idx.msk $0xffff, v61  }
0xb9: {  	s31 =	simm.s32 $0xA500;
	s26 =	sadd.s32 s25, s26;
	[tilespmem:v63+s15+$0x0] =	vst.idx.msk $0xffff, v7  }
0xba: {  	[hbm4b:s26+s3] =	stream.linear.scatter [tilespmem:s31], [sflag:$0x3], $0x80, $0x38;
	[tilespmem:$0xE900] =	vst v63  }
0xbb: {  	s28 =	sadd.s32 $0x10, s26;
	s31 =	simm.s32 $0xA588  }
0xbc: {  	[hbm4b:s28+s3] =	stream.linear.scatter [tilespmem:s31], [sflag:$0x3], $0x80, $0x38;
	[tilespmem:$0xE900] =	vst v63  }
0xbd: {  	s31 =	simm.s32 $0xA610;
	s28 =	sadd.s32 $0x20, s26  }
0xbe: {  	[hbm4b:s28+s3] =	stream.linear.scatter [tilespmem:s31], [sflag:$0x3], $0x80, $0x38;
	[tilespmem:$0xE900] =	vst v63  }
0xbf: {  	s31 =	simm.s32 $0xA698;
	s28 =	sadd.s32 $0x30, s26  }
0xc0: {  	[hbm4b:s28+s3] =	stream.linear.scatter [tilespmem:s31], [sflag:$0x3], $0x80, $0x38;
	[tilespmem:$0xE900] =	vst v63  }
0xc1: {  	s31 =	simm.s32 $0xA720;
	s28 =	sadd.s32 $0x40, s26  }
0xc2: {  	[hbm4b:s28+s3] =	stream.linear.scatter [tilespmem:s31], [sflag:$0x3], $0x80, $0x38;
	[tilespmem:$0xE900] =	vst v63  }
0xc3: {  	s29 =	simm.s32 $0xA8B8;
	s31 =	simm.s32 $0xA7A8;
	s28 =	sadd.s32 $0x50, s26  }
0xc4: {  	[hbm4b:s28+s3] =	stream.linear.scatter [tilespmem:s31], [sflag:$0x3], $0x80, $0x38;
	[tilespmem:$0xE900] =	vst v63  }
0xc5: {  	s25 =	simm.s32 $0x440;
	s31 =	simm.s32 $0xA830;
	s28 =	sadd.s32 $0x60, s26  }
0xc6: {  	[hbm4b:s28+s3] =	stream.linear.scatter [tilespmem:s31], [sflag:$0x3], $0x80, $0x38;
	[tilespmem:$0xE900] =	vst v63  }
0xc7: {  	s30 =	sadd.s32 $0x70, s26;
	s26 =	sadd.s32 $0x4000, s26;
	s28 =	simm.s32 $0x2200  }
.LBB2_5:
0xc8: {  	[hbm4b:s30+s3] =	stream.linear.scatter [tilespmem:s29], [sflag:$0x3], $0x80, $0x38;
	[tilespmem:$0xE900] =	vst v63  }
0xc9: {  	s29 =	smov.u32 s25;
	s25 =	smov.u32 s28  }
0xca: {  	s31 =	sadd.s32 $0x1100, s28;
	s25 =	sshra.s32 s25, $0x2;
	s30 =	sadd.s32 $0xA500, s29  }
0xcb: {  	[hbm4b:s26+s3] =	stream.linear.scatter [tilespmem:s30], [sflag:$0x3], $0x80, $0x38;
	[tilespmem:$0xE900] =	vst v63  }
0xcc: {  	p1 =	sne.s32 s28, $0x7700;
	s28 =	sadd.s32 $0xA588, s29;
	s30 =	sadd.s32 $0x10, s26  }
0xcd: {  	[hbm4b:s30+s3] =	stream.linear.scatter [tilespmem:s28], [sflag:$0x3], $0x80, $0x38;
	[tilespmem:$0xE900] =	vst v63  }
0xce: {  	s28 =	sadd.s32 $0xA610, s29;
	s30 =	sadd.s32 $0x20, s26  }
0xcf: {  	[hbm4b:s30+s3] =	stream.linear.scatter [tilespmem:s28], [sflag:$0x3], $0x80, $0x38;
	[tilespmem:$0xE900] =	vst v63  }
0xd0: {  	s28 =	sadd.s32 $0xA698, s29;
	s30 =	sadd.s32 $0x30, s26  }
0xd1: {  	[hbm4b:s30+s3] =	stream.linear.scatter [tilespmem:s28], [sflag:$0x3], $0x80, $0x38;
	[tilespmem:$0xE900] =	vst v63  }
0xd2: {  	s28 =	sadd.s32 $0xA720, s29;
	s30 =	sadd.s32 $0x40, s26  }
0xd3: {  	[hbm4b:s30+s3] =	stream.linear.scatter [tilespmem:s28], [sflag:$0x3], $0x80, $0x38;
	[tilespmem:$0xE900] =	vst v63  }
.Ltmp1:
0xd4: {  	s28 =	sadd.s32 $0xA7A8, s29;
	s30 =	sadd.s32 $0x50, s26;
	(pc) =	sbr.rel @p1 .LBB2_5-.Ltmp1, $4  }
0xd5: {  	[hbm4b:s30+s3] =	stream.linear.scatter [tilespmem:s28], [sflag:$0x3], $0x80, $0x38;
	[tilespmem:$0xE900] =	vst v63  }
0xd6: {  	s28 =	sadd.s32 $0xA830, s29;
	s30 =	sadd.s32 $0x60, s26;
	s29 =	sadd.s32 $0xA8B8, s29  }
0xd7: {  	[hbm4b:s30+s3] =	stream.linear.scatter [tilespmem:s28], [sflag:$0x3], $0x80, $0x38;
	[tilespmem:$0xE900] =	vst v63  }
0xd8: {  	s30 =	sadd.s32 $0x70, s26;
	s26 =	sadd.s32 $0x4000, s26;
	s28 =	smov.u32 s31  }
0xd9: {  	[hbm4b:s30+s3] =	stream.linear.scatter [tilespmem:s29], [sflag:$0x3], $0x80, $0x38;
	[tilespmem:$0xE900] =	vst v63  }
0xda: {  	s28 =	sadd.s32 $0xA500, s25  }
0xdb: {  	[hbm4b:s26+s3] =	stream.linear.scatter [tilespmem:s28], [sflag:$0x3], $0x80, $0x38;
	[tilespmem:$0xE900] =	vst v63  }
0xdc: {  	s30 =	sadd.s32 $0xA588, s25;
	s31 =	sadd.s32 $0x10, s26  }
0xdd: {  	[hbm4b:s31+s3] =	stream.linear.scatter [tilespmem:s30], [sflag:$0x3], $0x80, $0x38;
	[tilespmem:$0xE900] =	vst v63  }
0xde: {  	s30 =	sadd.s32 $0xA610, s25;
	s31 =	sadd.s32 $0x20, s26  }
0xdf: {  	[hbm4b:s31+s3] =	stream.linear.scatter [tilespmem:s30], [sflag:$0x3], $0x80, $0x38;
	[tilespmem:$0xE900] =	vst v63  }
0xe0: {  	s30 =	sadd.s32 $0xA698, s25;
	s31 =	sadd.s32 $0x30, s26  }
0xe1: {  	[hbm4b:s31+s3] =	stream.linear.scatter [tilespmem:s30], [sflag:$0x3], $0x80, $0x38;
	[tilespmem:$0xE900] =	vst v63  }
0xe2: {  	s30 =	sadd.s32 $0xA720, s25;
	s31 =	sadd.s32 $0x40, s26  }
0xe3: {  	[hbm4b:s31+s3] =	stream.linear.scatter [tilespmem:s30], [sflag:$0x3], $0x80, $0x38;
	[tilespmem:$0xE900] =	vst v63  }
0xe4: {  	p1 =	sne.s32 s21, $0x63;
	s30 =	sadd.s32 $0xA7A8, s25;
	s31 =	sadd.s32 $0x50, s26  }
0xe5: {  	[hbm4b:s31+s3] =	stream.linear.scatter [tilespmem:s30], [sflag:$0x3], $0x80, $0x38;
	[tilespmem:$0xE900] =	vst v63  }
.Ltmp2:
0xe6: {  	_ = 	snop;
	(pc) =	sbr.rel @p1 .LBB2_8-.Ltmp2, $4  }
0xe7: {  	s30 =	sadd.s32 $0xA830, s25;
	s31 =	sadd.s32 $0x60, s26  }
0xe8: {  	[hbm4b:s31+s3] =	stream.linear.scatter [tilespmem:s30], [sflag:$0x3], $0x80, $0x38;
	[tilespmem:$0xE900] =	vst v63  }
0xe9: {  	s30 =	sadd.s32 $0xA8B8, s25;
	s31 =	sadd.s32 $0x70, s26  }
0xea: {  	[hbm4b:s31+s3] =	stream.linear.scatter [tilespmem:s30], [sflag:$0x3], $0x80, $0x38;
	[tilespmem:$0xE900] =	vst v63  }
.Ltmp3:
0xeb: {  	(pc) =	sbr.rel .LBB2_9-.Ltmp3, $4  }
0xec: {  	_ = 	snop  }
0xed: {  	_ =	swait.ge [sflag:s16], $0x2000  }
0xee: {  	[sflag:s16] =	ssyncset.done $0x0  }
0xef: {  	[sflag:s16] =	ssyncadd.s32 $0xFFFFE000  }
.LBB2_8:
0xf0: {  	s24 =	sadd.s32 $0x2, s24;
	v0 =	vld [tilespmem:$0x1FFE0]  }
0xf1: {  	s25 =	sand.u32 $0x2, s24  }
0xf2: {  	s25 =	smul.u32 $0x1900, s25  }
0xf3: {  	s24 =	sshrl.u32 s24, $0x2  }
0xf4: {  	s24 =	sadd.s32 s24, s25  }
0xf5: {  	v1 =	vadd.s32 s24, v0;
	_ =	sdelay $0x4  }
0xf6: {  	s25 =	sadd.s32 $0x320, s24;
	v1 =	vld.idx.msk [tilespmem:v1+s3+$0x0], $0xffff  }
0xf7: {  	v2 =	vadd.s32 s25, v0;
	_ =	sdelay $0x3  }
0xf8: {  	[tilespmem:$0x6400] =	vst v1  }
0xf9: {  	s26 =	sadd.s32 $0x640, s24;
	v1 =	vld.idx.msk [tilespmem:v2+s3+$0x0], $0xffff  }
0xfa: {  	v58 =	vadd.s32 s26, v0;
	_ =	sdelay $0x3  }
0xfb: {  	[tilespmem:$0x6410] =	vst v1  }
0xfc: {  	s28 =	sadd.s32 $0x960, s24;
	v1 =	vld.idx.msk [tilespmem:v58+s3+$0x0], $0xffff  }
0xfd: {  	v59 =	vadd.s32 s28, v0;
	_ =	sdelay $0x3  }
0xfe: {  	[tilespmem:$0x6420] =	vst v1  }
0xff: {  	s29 =	sadd.s32 $0xC80, s24;
	v1 =	vld.idx.msk [tilespmem:v59+s3+$0x0], $0xffff  }
0x100: {  	v60 =	vadd.s32 s29, v0;
	_ =	sdelay $0x3  }
0x101: {  	[tilespmem:$0x6430] =	vst v1  }
0x102: {  	s30 =	sadd.s32 $0xFA0, s24;
	v1 =	vld.idx.msk [tilespmem:v60+s3+$0x0], $0xffff  }
0x103: {  	v61 =	vadd.s32 s30, v0;
	_ =	sdelay $0x3  }
0x104: {  	[tilespmem:$0x6440] =	vst v1  }
0x105: {  	s31 =	sadd.s32 $0x12C0, s24;
	v1 =	vld.idx.msk [tilespmem:v61+s3+$0x0], $0xffff  }
0x106: {  	v62 =	vadd.s32 s31, v0;
	_ =	sdelay $0x3  }
0x107: {  	[tilespmem:$0x6450] =	vst v1  }
0x108: {  	s24 =	sadd.s32 $0x15E0, s24;
	v1 =	vld.idx.msk [tilespmem:v62+s3+$0x0], $0xffff  }
0x109: {  	v63 =	vadd.s32 s24, v0;
	_ =	sdelay $0x3  }
0x10a: {  	[tilespmem:$0x6460] =	vst v1  }
0x10b: {  	v1 =	vld.idx.msk [tilespmem:v63+s3+$0x0], $0xffff;
	_ =	sdelay $0x4  }
.Ltmp4:
0x10c: {  	[tilespmem:$0x6470] =	vst v1;
	(pc) =	sbr.rel @p0 .LBB2_10-.Ltmp4, $4  }
0x10d: {  	[tilespmem:s11], [sflag:$0x1] =	stream.indirect.gather [hbm4b:s4+s9], $0x40, s10, s9, $0xb8;
	[tilespmem:$0xE900] =	vst v63  }
0x10e: {  	_ =	swait.ge [sflag:s16], $0x2000  }
0x10f: {  	[sflag:s16] =	ssyncset.done $0x0  }
0x110: {  	[sflag:s16] =	ssyncadd.s32 $0xFFFFE000  }
.LBB2_9:
0x111: {  	_ =	swait.ge [sflag:s17], $0x2000  }
0x112: {  	[sflag:s17] =	ssyncset.done $0x0  }
0x113: {  	[sflag:s17] =	ssyncadd.s32 $0xFFFFE000  }
.LBB2_10:
0x114: {  	s24 =	simm.s32 $0x0;
	s29 =	simm.s32 $0x1;
	s25 =	simm.s32 $0x2  }
0x115: {  	s30 =	simm.s32 $0x3;
	s31 =	simm.s32 $0x4;
	s26 =	simm.s32 $0x7;
	v1 =	vmov s24;
	v2 =	vmov s29;
	v3 =	vmov s25  }
0x116: {  	s28 =	simm.s32 $0x5;
	v4 =	vmov s30;
	v5 =	vmov s31;
	v7 =	vmov s26  }
0x117: {  	v44 =	vmov s28;
	s29 =	simm.s32 $0x6;
	v1 =	vshrl.u32 v1, $0x3;
	v7 =	vshrl.u32 v7, $0x3  }
0x118: {  	v45 =	vmov s29;
	v2 =	vshrl.u32 v2, $0x3;
	v3 =	vshrl.u32 v3, $0x3  }
0x119: {  	v4 =	vshrl.u32 v4, $0x3;
	v5 =	vshrl.u32 v5, $0x3;
	v7 =	vshll.u32 v7, v9  }
0x11a: {  	v1 =	vshll.u32 v1, v9;
	v57 =	vshll.u32 v2, v9;
	v7 =	vbroadcast v7, $0x0  }
0x11b: {  	s24 =	simm.s32 $0x8600;
	v58 =	vshll.u32 v3, v9;
	v4 =	vshll.u32 v4, v9;
	v41 =	vbroadcast v1, $0x0  }
0x11c: {  	v59 =	vld [tilespmem:s24+$0xC0];
	v1 =	vbroadcast v57, $0x0;
	v2 =	vbroadcast v58, $0x0;
	v46 =	vadd.s32 v37, v7  }
0x11d: {  	v47 =	vld [tilespmem:s24+$0xFFFFFF00];
	v43 =	vbroadcast v4, $0x0;
	v4 =	vshll.u32 v5, v9;
	v48 =	vadd.s32 v6, v41  }
0x11e: {  	v5 =	vld [tilespmem:s24+$0xFFFFFF80];
	v42 =	vbroadcast v4, $0x0;
	v4 =	vshrl.u32 v44, $0x3;
	v51 =	vadd.s32 v17, v2  }
0x11f: {  	v49 =	vld [tilespmem:s24+$0xFFFFFF40];
	v60 =	vshrl.u32 v45, $0x3;
	v50 =	vadd.s32 v13, v1;
	v4 =	vshll.u32 v4, v9  }
0x120: {  	v52 =	vld [tilespmem:s24+$0xFFFFFFC0];
	v53 =	vadd.s32 v21, v43;
	v45 =	vbroadcast v4, $0x0;
	v4 =	vshll.u32 v60, v9  }
0x121: {  	v54 =	vld [tilespmem:s24+$0x0];
	v55 =	vadd.s32 v25, v42;
	v44 =	vbroadcast v4, $0x0;
	[tilespmem:v46+s18+$0x0] =	vst.idx.msk $0xffff, v59  }
0x122: {  	v61 =	vld [tilespmem:s24+$0x40];
	v62 =	vadd.s32 v29, v45;
	[tilespmem:v48+s18+$0x0] =	vst.idx.msk $0xffff, v47  }
0x123: {  	v63 =	vadd.s32 v33, v44;
	[tilespmem:v51+s18+$0x0] =	vst.idx.msk $0xffff, v5;
	v5 =	vld [tilespmem:s24+$0x80]  }
0x124: {  	v4 =	vadd.s32 v38, v7;
	[tilespmem:v50+s18+$0x0] =	vst.idx.msk $0xffff, v49;
	v3 =	vld [tilespmem:s24+$0xD0]  }
0x125: {  	v57 =	vadd.s32 v14, v1;
	[tilespmem:v53+s18+$0x0] =	vst.idx.msk $0xffff, v52;
	v49 =	vld [tilespmem:s24+$0xFFFFFF50]  }
0x126: {  	v58 =	vadd.s32 v18, v2;
	v51 =	vld [tilespmem:s24+$0xFFFFFF90];
	[tilespmem:v55+s18+$0x0] =	vst.idx.msk $0xffff, v54  }
0x127: {  	v59 =	vadd.s32 v22, v43;
	v53 =	vld [tilespmem:s24+$0xFFFFFFD0];
	[tilespmem:v62+s18+$0x0] =	vst.idx.msk $0xffff, v61  }
0x128: {  	v0 =	vadd.s32 v26, v42;
	v46 =	vld [tilespmem:s24+$0x10];
	[tilespmem:v63+s18+$0x0] =	vst.idx.msk $0xffff, v5  }
0x129: {  	v60 =	vadd.s32 v30, v45;
	v5 =	vld [tilespmem:s24+$0x50];
	[tilespmem:v4+s18+$0x0] =	vst.idx.msk $0xffff, v3  }
0x12a: {  	v63 =	vld [tilespmem:s24+$0xFFFFFF10];
	[tilespmem:v57+s18+$0x0] =	vst.idx.msk $0xffff, v49;
	v57 =	vadd.s32 v10, v41  }
0x12b: {  	v4 =	vadd.s32 v39, v7;
	[tilespmem:v58+s18+$0x0] =	vst.idx.msk $0xffff, v51;
	v3 =	vld [tilespmem:s24+$0xE0]  }
0x12c: {  	v62 =	vadd.s32 v34, v44;
	v61 =	vld [tilespmem:s24+$0x90];
	[tilespmem:v59+s18+$0x0] =	vst.idx.msk $0xffff, v53  }
0x12d: {  	v59 =	vadd.s32 v15, v1;
	v58 =	vld [tilespmem:s24+$0xFFFFFF60];
	[tilespmem:v0+s18+$0x0] =	vst.idx.msk $0xffff, v46  }
0x12e: {  	v47 =	vadd.s32 v23, v43;
	[tilespmem:v60+s18+$0x0] =	vst.idx.msk $0xffff, v5;
	v5 =	vld [tilespmem:s24+$0xFFFFFFE0]  }
0x12f: {  	v8 =	vadd.s32 v27, v42;
	[tilespmem:v57+s18+$0x0] =	vst.idx.msk $0xffff, v63;
	v63 =	vld [tilespmem:s24+$0x20]  }
0x130: {  	v46 =	vadd.s32 v19, v2;
	[tilespmem:v4+s18+$0x0] =	vst.idx.msk $0xffff, v3;
	v4 =	vadd.s32 v40, v7;
	v7 =	vld [tilespmem:s24+$0xFFFFFFA0]  }
0x131: {  	[tilespmem:v62+s18+$0x0] =	vst.idx.msk $0xffff, v61;
	v3 =	vld [tilespmem:s24+$0xF0]  }
0x132: {  	s28 =	simm.s32 $0xB;
	s29 =	simm.s32 $0xC;
	v56 =	vadd.s32 v11, v41;
	v49 =	vadd.s32 v31, v45;
	v48 =	vld [tilespmem:s24+$0x60];
	[tilespmem:v59+s18+$0x0] =	vst.idx.msk $0xffff, v58  }
0x133: {  	s30 =	simm.s32 $0x8;
	s31 =	simm.s32 $0x9;
	v52 =	vmov s28;
	v55 =	vmov s29;
	v51 =	vadd.s32 v35, v44;
	v50 =	vld [tilespmem:s24+$0xA0];
	[tilespmem:v47+s18+$0x0] =	vst.idx.msk $0xffff, v5  }
0x134: {  	s26 =	simm.s32 $0xA;
	v60 =	vadd.s32 v20, v2;
	v62 =	vmov s30;
	v61 =	vmov s31;
	v54 =	vld [tilespmem:s24+$0xFFFFFF20];
	[tilespmem:v8+s18+$0x0] =	vst.idx.msk $0xffff, v63  }
0x135: {  	s30 =	simm.s32 $0xD;
	s31 =	simm.s32 $0xE;
	v0 =	vshrl.u32 v62, $0x3;
	v62 =	vmov s26;
	v59 =	vadd.s32 v16, v1;
	v57 =	vld [tilespmem:s24+$0xFFFFFF70];
	[tilespmem:v46+s18+$0x0] =	vst.idx.msk $0xffff, v7  }
0x136: {  	s25 =	simm.s32 $0x10;
	s26 =	simm.s32 $0xF;
	v53 =	vshll.u32 v0, v9;
	v47 =	vmov s31;
	v46 =	vmov s30;
	[tilespmem:v4+s18+$0x0] =	vst.idx.msk $0xffff, v3;
	v58 =	vld [tilespmem:s24+$0xFFFFFFB0]  }
.LBB2_11:
0x137: {  	p0 =	slt.u32 s25, $0x78;
	v1 =	vshrl.u32 v61, $0x3;
	v2 =	vmov s26;
	v3 =	vld [tilespmem:s24+$0xFFFFFFF0];
	v4 =	vadd.s32 v24, v43;
	[tilespmem:v49+s18+$0x0] =	vst.idx.msk $0xffff, v48  }
0x138: {  	v5 =	vshrl.u32 v62, $0x3;
	v8 =	vadd.s32 v28, v42;
	v2 =	vshrl.u32 v2, $0x3;
	v7 =	vld [tilespmem:s24+$0x30];
	[tilespmem:v51+s18+$0x0] =	vst.idx.msk $0xffff, v50  }
0x139: {  	v42 =	vshrl.u32 v52, $0x3;
	v45 =	vadd.s32 v32, v45;
	v2 =	vshll.u32 v2, v9;
	[tilespmem:v56+s18+$0x0] =	vst.idx.msk $0xffff, v54;
	v48 =	vld [tilespmem:s24+$0x70]  }
0x13a: {  	v49 =	vshrl.u32 v55, $0x3;
	v44 =	vadd.s32 v36, v44;
	v2 =	vbroadcast v2, $0x0;
	[tilespmem:v59+s18+$0x0] =	vst.idx.msk $0xffff, v57;
	v50 =	vld [tilespmem:s24+$0xB0]  }
0x13b: {  	v52 =	vadd.s32 v12, v41;
	v41 =	vbroadcast v53, $0x0;
	v1 =	vshll.u32 v1, v9;
	v51 =	vld [tilespmem:s24+$0xFFFFFF30];
	[tilespmem:v60+s18+$0x0] =	vst.idx.msk $0xffff, v58;
	s24 =	sadd.s32 $0x200, s24  }
0x13c: {  	v5 =	vshll.u32 v5, v9;
	v1 =	vbroadcast v1, $0x0;
	v53 =	vld [tilespmem:s24+$0xC0];
	v54 =	vadd.s32 v37, v2;
	[tilespmem:v4+s18+$0x0] =	vst.idx.msk $0xffff, v3  }
0x13d: {  	v42 =	vshll.u32 v42, v9;
	v5 =	vbroadcast v5, $0x0;
	v4 =	vadd.s32 v6, v41;
	v3 =	vld [tilespmem:s24+$0xFFFFFF00];
	[tilespmem:v8+s18+$0x0] =	vst.idx.msk $0xffff, v7  }
0x13e: {  	v43 =	vbroadcast v42, $0x0;
	v42 =	vshll.u32 v49, v9;
	v8 =	vadd.s32 v13, v1;
	v7 =	vld [tilespmem:s24+$0xFFFFFF40];
	[tilespmem:v45+s18+$0x0] =	vst.idx.msk $0xffff, v48  }
0x13f: {  	v42 =	vbroadcast v42, $0x0;
	v49 =	vadd.s32 v17, v5;
	v45 =	vshrl.u32 v46, $0x3;
	v48 =	vld [tilespmem:s24+$0xFFFFFF80];
	[tilespmem:v44+s18+$0x0] =	vst.idx.msk $0xffff, v50  }
0x140: {  	v47 =	vshrl.u32 v47, $0x3;
	v50 =	vadd.s32 v21, v43;
	v44 =	vshll.u32 v45, v9;
	v46 =	vld [tilespmem:s24+$0xFFFFFFC0];
	[tilespmem:v52+s18+$0x0] =	vst.idx.msk $0xffff, v51  }
0x141: {  	v52 =	vadd.s32 v25, v42;
	v45 =	vbroadcast v44, $0x0;
	v44 =	vshll.u32 v47, v9;
	v51 =	vld [tilespmem:s24+$0x0];
	[tilespmem:v54+s18+$0x0] =	vst.idx.msk $0xffff, v53  }
0x142: {  	v44 =	vbroadcast v44, $0x0;
	[tilespmem:v4+s18+$0x0] =	vst.idx.msk $0xffff, v3;
	v3 =	vld [tilespmem:s24+$0xD0];
	v4 =	vadd.s32 v38, v2  }
0x143: {  	[tilespmem:v8+s18+$0x0] =	vst.idx.msk $0xffff, v7;
	v7 =	vld [tilespmem:s24+$0x40];
	v8 =	vadd.s32 v29, v45  }
0x144: {  	[tilespmem:v49+s18+$0x0] =	vst.idx.msk $0xffff, v48;
	v47 =	vld [tilespmem:s24+$0x80];
	v48 =	vadd.s32 v33, v44  }
0x145: {  	v53 =	vadd.s32 v14, v1;
	v49 =	vld [tilespmem:s24+$0xFFFFFF50];
	[tilespmem:v50+s18+$0x0] =	vst.idx.msk $0xffff, v46  }
0x146: {  	v50 =	vadd.s32 v18, v5;
	v46 =	vld [tilespmem:s24+$0xFFFFFF90];
	[tilespmem:v52+s18+$0x0] =	vst.idx.msk $0xffff, v51  }
0x147: {  	v52 =	vadd.s32 v22, v43;
	v51 =	vld [tilespmem:s24+$0xFFFFFFD0];
	[tilespmem:v4+s18+$0x0] =	vst.idx.msk $0xffff, v3  }
0x148: {  	v4 =	vadd.s32 v39, v2;
	[tilespmem:v8+s18+$0x0] =	vst.idx.msk $0xffff, v7;
	v3 =	vld [tilespmem:s24+$0xE0]  }
0x149: {  	v8 =	vadd.s32 v26, v42;
	v7 =	vld [tilespmem:s24+$0x10];
	[tilespmem:v48+s18+$0x0] =	vst.idx.msk $0xffff, v47  }
0x14a: {  	v48 =	vadd.s32 v30, v45;
	[tilespmem:v53+s18+$0x0] =	vst.idx.msk $0xffff, v49;
	v47 =	vld [tilespmem:s24+$0x50]  }
0x14b: {  	v49 =	vadd.s32 v34, v44;
	[tilespmem:v50+s18+$0x0] =	vst.idx.msk $0xffff, v46;
	v46 =	vld [tilespmem:s24+$0x90]  }
0x14c: {  	v53 =	vadd.s32 v10, v41;
	v50 =	vld [tilespmem:s24+$0xFFFFFF10];
	[tilespmem:v52+s18+$0x0] =	vst.idx.msk $0xffff, v51  }
0x14d: {  	v52 =	vadd.s32 v15, v1;
	v51 =	vld [tilespmem:s24+$0xFFFFFF60];
	[tilespmem:v4+s18+$0x0] =	vst.idx.msk $0xffff, v3  }
0x14e: {  	v2 =	vadd.s32 v40, v2;
	[tilespmem:v8+s18+$0x0] =	vst.idx.msk $0xffff, v7;
	v3 =	vld [tilespmem:s24+$0xF0]  }
0x14f: {  	v7 =	vadd.s32 v19, v5;
	v4 =	vld [tilespmem:s24+$0xFFFFFFA0];
	[tilespmem:v48+s18+$0x0] =	vst.idx.msk $0xffff, v47  }
0x150: {  	v47 =	vadd.s32 v23, v43;
	v8 =	vld [tilespmem:s24+$0xFFFFFFE0];
	[tilespmem:v49+s18+$0x0] =	vst.idx.msk $0xffff, v46  }
0x151: {  	v0 =	vadd.s32 v27, v42;
	[tilespmem:v53+s18+$0x0] =	vst.idx.msk $0xffff, v50;
	v63 =	vld [tilespmem:s24+$0x20]  }
.Ltmp5:
0x152: {  	s26 =	sadd.s32 $0x1, s25;
	v46 =	vmov s25;
	v49 =	vadd.s32 v31, v45;
	[tilespmem:v52+s18+$0x0] =	vst.idx.msk $0xffff, v51;
	v48 =	vld [tilespmem:s24+$0x60];
	(pc) =	sbr.rel @p0 .LBB2_11-.Ltmp5, $4  }
0x153: {  	s28 =	sadd.s32 $0x3, s25;
	v61 =	vmov s26;
	s26 =	sadd.s32 $0x2, s25;
	v53 =	vshrl.u32 v46, $0x3;
	v51 =	vadd.s32 v35, v44;
	v50 =	vld [tilespmem:s24+$0xA0];
	[tilespmem:v2+s18+$0x0] =	vst.idx.msk $0xffff, v3  }
0x154: {  	v62 =	vmov s26;
	s26 =	sadd.s32 $0x4, s25;
	v56 =	vadd.s32 v11, v41;
	v52 =	vmov s28;
	s28 =	sadd.s32 $0x5, s25;
	v54 =	vld [tilespmem:s24+$0xFFFFFF20];
	[tilespmem:v7+s18+$0x0] =	vst.idx.msk $0xffff, v4  }
0x155: {  	v55 =	vmov s26;
	s26 =	sadd.s32 $0x6, s25;
	v59 =	vadd.s32 v16, v1;
	v46 =	vmov s28;
	v57 =	vld [tilespmem:s24+$0xFFFFFF70];
	[tilespmem:v47+s18+$0x0] =	vst.idx.msk $0xffff, v8  }
0x156: {  	v60 =	vadd.s32 v20, v5;
	v53 =	vshll.u32 v53, v9;
	v47 =	vmov s26;
	s26 =	sadd.s32 $0x7, s25;
	s25 =	sadd.s32 $0x8, s25;
	v58 =	vld [tilespmem:s24+$0xFFFFFFB0];
	[tilespmem:v0+s18+$0x0] =	vst.idx.msk $0xffff, v63  }
0x157: {  	_ =	sdelay $0x2  }
0x158: {  	v0 =	vshrl.u32 v61, $0x3;
	v1 =	vmov s26  }
0x159: {  	v2 =	vld [tilespmem:s24+$0xFFFFFFF0];
	v3 =	vadd.s32 v24, v43;
	[tilespmem:v49+s18+$0x0] =	vst.idx.msk $0xffff, v48;
	v4 =	vshrl.u32 v62, $0x3;
	v7 =	vadd.s32 v28, v42  }
0x15a: {  	v5 =	vld [tilespmem:s24+$0x30];
	v8 =	vshrl.u32 v52, $0x3;
	v43 =	vadd.s32 v32, v45;
	v49 =	vbroadcast v53, $0x0;
	[tilespmem:v51+s18+$0x0] =	vst.idx.msk $0xffff, v50  }
0x15b: {  	v44 =	vadd.s32 v36, v44;
	v41 =	vadd.s32 v12, v41;
	s31 =	sadd.s32 $0x200, s24;
	v46 =	vshrl.u32 v46, $0x3;
	v42 =	vld [tilespmem:s24+$0x70];
	[tilespmem:v56+s18+$0x0] =	vst.idx.msk $0xffff, v54  }
0x15c: {  	v1 =	vshrl.u32 v1, $0x3;
	v0 =	vshll.u32 v0, v9;
	v63 =	vld [tilespmem:s31+$0xFFFFFF00];
	v53 =	vadd.s32 v6, v49;
	[tilespmem:v59+s18+$0x0] =	vst.idx.msk $0xffff, v57  }
0x15d: {  	v47 =	vshrl.u32 v47, $0x3;
	v1 =	vshll.u32 v1, v9;
	v0 =	vbroadcast v0, $0x0;
	v57 =	vld [tilespmem:s24+$0xB0];
	[tilespmem:v60+s18+$0x0] =	vst.idx.msk $0xffff, v58  }
0x15e: {  	v4 =	vshll.u32 v4, v9;
	v8 =	vshll.u32 v8, v9;
	v1 =	vbroadcast v1, $0x0;
	v59 =	vld [tilespmem:s24+$0xFFFFFF30];
	[tilespmem:v3+s18+$0x0] =	vst.idx.msk $0xffff, v2  }
0x15f: {  	v56 =	vshrl.u32 v55, $0x3;
	v4 =	vbroadcast v4, $0x0;
	[tilespmem:v7+s18+$0x0] =	vst.idx.msk $0xffff, v5;
	v5 =	vld [tilespmem:s31+$0xFFFFFF40];
	v7 =	vadd.s32 v13, v0  }
0x160: {  	v61 =	vld [tilespmem:s31+$0xC0];
	v8 =	vbroadcast v8, $0x0;
	v45 =	vshll.u32 v56, v9;
	v62 =	vadd.s32 v37, v1;
	[tilespmem:v43+s18+$0x0] =	vst.idx.msk $0xffff, v42  }
0x161: {  	v46 =	vshll.u32 v46, v9;
	v54 =	vld [tilespmem:s31+$0xFFFFFF80];
	v55 =	vadd.s32 v17, v4;
	v45 =	vbroadcast v45, $0x0;
	[tilespmem:v53+s18+$0x0] =	vst.idx.msk $0xffff, v63  }
0x162: {  	v47 =	vshll.u32 v47, v9;
	v46 =	vbroadcast v46, $0x0;
	v48 =	vadd.s32 v21, v8;
	[tilespmem:v44+s18+$0x0] =	vst.idx.msk $0xffff, v57;
	v44 =	vld [tilespmem:s31+$0xFFFFFFC0]  }
0x163: {  	v56 =	vld [tilespmem:s31+$0x0];
	v2 =	vbroadcast v47, $0x0;
	[tilespmem:v41+s18+$0x0] =	vst.idx.msk $0xffff, v59;
	v57 =	vadd.s32 v25, v45  }
0x164: {  	[tilespmem:v7+s18+$0x0] =	vst.idx.msk $0xffff, v5;
	v5 =	vld [tilespmem:s31+$0x40];
	v7 =	vadd.s32 v29, v46  }
0x165: {  	v60 =	vld [tilespmem:s31+$0x80];
	[tilespmem:v62+s18+$0x0] =	vst.idx.msk $0xffff, v61;
	v61 =	vadd.s32 v33, v2  }
0x166: {  	v59 =	vadd.s32 v38, v1;
	[tilespmem:v55+s18+$0x0] =	vst.idx.msk $0xffff, v54;
	v58 =	vld [tilespmem:s31+$0xD0]  }
0x167: {  	v55 =	vadd.s32 v18, v4;
	v54 =	vld [tilespmem:s31+$0xFFFFFF90];
	[tilespmem:v48+s18+$0x0] =	vst.idx.msk $0xffff, v44  }
0x168: {  	v63 =	vadd.s32 v14, v0;
	v62 =	vld [tilespmem:s31+$0xFFFFFF50];
	[tilespmem:v57+s18+$0x0] =	vst.idx.msk $0xffff, v56  }
0x169: {  	v57 =	vadd.s32 v22, v8;
	v56 =	vld [tilespmem:s31+$0xFFFFFFD0];
	[tilespmem:v7+s18+$0x0] =	vst.idx.msk $0xffff, v5  }
0x16a: {  	v47 =	vadd.s32 v26, v45;
	v7 =	vld [tilespmem:s31+$0x10];
	[tilespmem:v61+s18+$0x0] =	vst.idx.msk $0xffff, v60  }
0x16b: {  	[tilespmem:v59+s18+$0x0] =	vst.idx.msk $0xffff, v58;
	v58 =	vld [tilespmem:s31+$0x50];
	v59 =	vadd.s32 v30, v46  }
0x16c: {  	[tilespmem:v55+s18+$0x0] =	vst.idx.msk $0xffff, v54;
	v61 =	vadd.s32 v34, v2;
	v60 =	vld [tilespmem:s31+$0x90]  }
0x16d: {  	v5 =	vadd.s32 v39, v1;
	[tilespmem:v63+s18+$0x0] =	vst.idx.msk $0xffff, v62;
	v3 =	vld [tilespmem:s31+$0xE0]  }
0x16e: {  	v62 =	vld [tilespmem:s31+$0xFFFFFF10];
	v63 =	vadd.s32 v10, v49;
	[tilespmem:v57+s18+$0x0] =	vst.idx.msk $0xffff, v56  }
0x16f: {  	v56 =	vld [tilespmem:s31+$0xFFFFFF60];
	v57 =	vadd.s32 v15, v0;
	[tilespmem:v47+s18+$0x0] =	vst.idx.msk $0xffff, v7  }
0x170: {  	[tilespmem:v59+s18+$0x0] =	vst.idx.msk $0xffff, v58;
	v58 =	vld [tilespmem:s31+$0xFFFFFFE0];
	v59 =	vadd.s32 v23, v8  }
0x171: {  	[tilespmem:v61+s18+$0x0] =	vst.idx.msk $0xffff, v60;
	v60 =	vld [tilespmem:s31+$0x20];
	v61 =	vadd.s32 v27, v45  }
0x172: {  	v7 =	vadd.s32 v19, v4;
	[tilespmem:v5+s18+$0x0] =	vst.idx.msk $0xffff, v3;
	v5 =	vld [tilespmem:s31+$0xFFFFFFA0]  }
0x173: {  	[tilespmem:v63+s18+$0x0] =	vst.idx.msk $0xffff, v62;
	v63 =	vadd.s32 v31, v46;
	v62 =	vld [tilespmem:s31+$0x60]  }
0x174: {  	v55 =	vadd.s32 v35, v2;
	v54 =	vld [tilespmem:s31+$0xA0];
	[tilespmem:v57+s18+$0x0] =	vst.idx.msk $0xffff, v56  }
0x175: {  	v1 =	vadd.s32 v40, v1;
	v3 =	vld [tilespmem:s31+$0xF0];
	[tilespmem:v59+s18+$0x0] =	vst.idx.msk $0xffff, v58  }
0x176: {  	v56 =	vld [tilespmem:s31+$0xFFFFFF20];
	v57 =	vadd.s32 v11, v49;
	[tilespmem:v61+s18+$0x0] =	vst.idx.msk $0xffff, v60  }
0x177: {  	v0 =	vadd.s32 v16, v0;
	[tilespmem:v7+s18+$0x0] =	vst.idx.msk $0xffff, v5;
	v5 =	vld [tilespmem:s31+$0xFFFFFF70]  }
0x178: {  	v8 =	vadd.s32 v24, v8;
	v42 =	vld [tilespmem:s31+$0xFFFFFFF0];
	[tilespmem:v63+s18+$0x0] =	vst.idx.msk $0xffff, v62  }
0x179: {  	v59 =	vadd.s32 v28, v45;
	v58 =	vld [tilespmem:s31+$0x30];
	[tilespmem:v55+s18+$0x0] =	vst.idx.msk $0xffff, v54  }
0x17a: {  	v4 =	vadd.s32 v20, v4;
	[tilespmem:v1+s18+$0x0] =	vst.idx.msk $0xffff, v3;
	v7 =	vld [tilespmem:s31+$0xFFFFFFB0]  }
0x17b: {  	v61 =	vadd.s32 v32, v46;
	v60 =	vld [tilespmem:s31+$0x70];
	[tilespmem:v57+s18+$0x0] =	vst.idx.msk $0xffff, v56  }
0x17c: {  	v2 =	vadd.s32 v36, v2;
	v62 =	vld [tilespmem:s31+$0xB0];
	[tilespmem:v0+s18+$0x0] =	vst.idx.msk $0xffff, v5  }
0x17d: {  	v63 =	vadd.s32 v12, v49;
	v5 =	vld [tilespmem:s31+$0xFFFFFF30];
	[tilespmem:v8+s18+$0x0] =	vst.idx.msk $0xffff, v42  }
0x17e: {  	[tilespmem:v59+s18+$0x0] =	vst.idx.msk $0xffff, v58  }
0x17f: {  	[tilespmem:v4+s18+$0x0] =	vst.idx.msk $0xffff, v7  }
0x180: {  	s23 =	sshll.u32 s23, $0x11;
	s22 =	sor.u32 s6, s22;
	[tilespmem:v61+s18+$0x0] =	vst.idx.msk $0xffff, v60  }
0x181: {  	s22 =	sshll.u32 s22, $0x7;
	s23 =	sadd.s32 s2, s23;
	[tilespmem:v2+s18+$0x0] =	vst.idx.msk $0xffff, v62  }
0x182: {  	s23 =	sadd.s32 s22, s23;
	s24 =	simm.s32 $0xC700;
	[tilespmem:v63+s18+$0x0] =	vst.idx.msk $0xffff, v5  }
0x183: {  	[hbm4b:s23+s3] =	stream.linear.scatter [tilespmem:s24], [sflag:$0x4], $0x80, $0x38;
	[tilespmem:$0xE900] =	vst v63  }
0x184: {  	s25 =	simm.s32 $0xC788;
	s26 =	sadd.s32 $0x10, s23  }
0x185: {  	[hbm4b:s26+s3] =	stream.linear.scatter [tilespmem:s25], [sflag:$0x4], $0x80, $0x38;
	[tilespmem:$0xE900] =	vst v63  }
0x186: {  	s28 =	simm.s32 $0xC810;
	s30 =	simm.s32 $0xC898;
	s29 =	sadd.s32 $0x20, s23  }
0x187: {  	[hbm4b:s29+s3] =	stream.linear.scatter [tilespmem:s28], [sflag:$0x4], $0x80, $0x38;
	[tilespmem:$0xE900] =	vst v63  }
0x188: {  	s22 =	simm.s32 $0x440;
	s31 =	sadd.s32 $0x30, s23;
	s24 =	simm.s32 $0x2200  }
0x189: {  	[hbm4b:s31+s3] =	stream.linear.scatter [tilespmem:s30], [sflag:$0x4], $0x80, $0x38;
	[tilespmem:$0xE900] =	vst v63  }
0x18a: {  	s25 =	simm.s32 $0xC920;
	s26 =	sadd.s32 $0x40, s23;
	s28 =	simm.s32 $0xC9A8  }
0x18b: {  	[hbm4b:s26+s3] =	stream.linear.scatter [tilespmem:s25], [sflag:$0x4], $0x80, $0x38;
	[tilespmem:$0xE900] =	vst v63  }
0x18c: {  	s29 =	sadd.s32 $0x50, s23;
	s30 =	simm.s32 $0xCA30;
	s31 =	sadd.s32 $0x60, s23  }
0x18d: {  	[hbm4b:s29+s3] =	stream.linear.scatter [tilespmem:s28], [sflag:$0x4], $0x80, $0x38;
	[tilespmem:$0xE900] =	vst v63  }
0x18e: {  	s25 =	simm.s32 $0xCAB8;
	s26 =	sadd.s32 $0x70, s23;
	s23 =	sadd.s32 $0x4000, s23  }
0x18f: {  	[hbm4b:s31+s3] =	stream.linear.scatter [tilespmem:s30], [sflag:$0x4], $0x80, $0x38;
	[tilespmem:$0xE900] =	vst v63  }
.LBB2_13:
0x190: {  	[hbm4b:s26+s3] =	stream.linear.scatter [tilespmem:s25], [sflag:$0x4], $0x80, $0x38;
	[tilespmem:$0xE900] =	vst v63  }
0x191: {  	s25 =	smov.u32 s22;
	s22 =	smov.u32 s24  }
0x192: {  	s28 =	sadd.s32 $0x1100, s24;
	s22 =	sshra.s32 s22, $0x2;
	s26 =	sadd.s32 $0xC700, s25  }
0x193: {  	[hbm4b:s23+s3] =	stream.linear.scatter [tilespmem:s26], [sflag:$0x4], $0x80, $0x38;
	[tilespmem:$0xE900] =	vst v63  }
0x194: {  	p0 =	sne.s32 s24, $0x7700;
	s24 =	sadd.s32 $0xC788, s25;
	s26 =	sadd.s32 $0x10, s23  }
0x195: {  	[hbm4b:s26+s3] =	stream.linear.scatter [tilespmem:s24], [sflag:$0x4], $0x80, $0x38;
	[tilespmem:$0xE900] =	vst v63  }
0x196: {  	s24 =	sadd.s32 $0xC810, s25;
	s26 =	sadd.s32 $0x20, s23  }
0x197: {  	[hbm4b:s26+s3] =	stream.linear.scatter [tilespmem:s24], [sflag:$0x4], $0x80, $0x38;
	[tilespmem:$0xE900] =	vst v63  }
0x198: {  	s24 =	sadd.s32 $0xC898, s25;
	s26 =	sadd.s32 $0x30, s23  }
0x199: {  	[hbm4b:s26+s3] =	stream.linear.scatter [tilespmem:s24], [sflag:$0x4], $0x80, $0x38;
	[tilespmem:$0xE900] =	vst v63  }
0x19a: {  	s24 =	sadd.s32 $0xC920, s25;
	s26 =	sadd.s32 $0x40, s23  }
0x19b: {  	[hbm4b:s26+s3] =	stream.linear.scatter [tilespmem:s24], [sflag:$0x4], $0x80, $0x38;
	[tilespmem:$0xE900] =	vst v63  }
.Ltmp6:
0x19c: {  	s24 =	sadd.s32 $0xC9A8, s25;
	s26 =	sadd.s32 $0x50, s23;
	(pc) =	sbr.rel @p0 .LBB2_13-.Ltmp6, $4  }
0x19d: {  	[hbm4b:s26+s3] =	stream.linear.scatter [tilespmem:s24], [sflag:$0x4], $0x80, $0x38;
	[tilespmem:$0xE900] =	vst v63  }
0x19e: {  	s24 =	sadd.s32 $0xCA30, s25;
	s26 =	sadd.s32 $0x60, s23;
	s25 =	sadd.s32 $0xCAB8, s25  }
0x19f: {  	[hbm4b:s26+s3] =	stream.linear.scatter [tilespmem:s24], [sflag:$0x4], $0x80, $0x38;
	[tilespmem:$0xE900] =	vst v63  }
0x1a0: {  	s26 =	sadd.s32 $0x70, s23;
	s23 =	sadd.s32 $0x4000, s23;
	s24 =	smov.u32 s28  }
0x1a1: {  	[hbm4b:s26+s3] =	stream.linear.scatter [tilespmem:s25], [sflag:$0x4], $0x80, $0x38;
	[tilespmem:$0xE900] =	vst v63  }
0x1a2: {  	s24 =	sadd.s32 $0xC700, s22  }
0x1a3: {  	[hbm4b:s23+s3] =	stream.linear.scatter [tilespmem:s24], [sflag:$0x4], $0x80, $0x38;
	[tilespmem:$0xE900] =	vst v63  }
0x1a4: {  	s30 =	sadd.s32 $0xC788, s22;
	s31 =	sadd.s32 $0x10, s23  }
0x1a5: {  	[hbm4b:s31+s3] =	stream.linear.scatter [tilespmem:s30], [sflag:$0x4], $0x80, $0x38;
	[tilespmem:$0xE900] =	vst v63  }
0x1a6: {  	s25 =	sadd.s32 $0xC810, s22;
	s26 =	sadd.s32 $0x20, s23  }
0x1a7: {  	[hbm4b:s26+s3] =	stream.linear.scatter [tilespmem:s25], [sflag:$0x4], $0x80, $0x38;
	[tilespmem:$0xE900] =	vst v63  }
0x1a8: {  	s28 =	sadd.s32 $0xC898, s22;
	s29 =	sadd.s32 $0x30, s23  }
0x1a9: {  	[hbm4b:s29+s3] =	stream.linear.scatter [tilespmem:s28], [sflag:$0x4], $0x80, $0x38;
	[tilespmem:$0xE900] =	vst v63  }
0x1aa: {  	s21 =	sadd.s32 $0x1, s21;
	s30 =	sadd.s32 $0xC920, s22;
	s31 =	sadd.s32 $0x40, s23  }
0x1ab: {  	[hbm4b:s31+s3] =	stream.linear.scatter [tilespmem:s30], [sflag:$0x4], $0x80, $0x38;
	[tilespmem:$0xE900] =	vst v63  }
0x1ac: {  	p0 =	sne.s32 s21, $0x64;
	s25 =	sadd.s32 $0xC9A8, s22;
	s26 =	sadd.s32 $0x50, s23  }
0x1ad: {  	[hbm4b:s26+s3] =	stream.linear.scatter [tilespmem:s25], [sflag:$0x4], $0x80, $0x38;
	[tilespmem:$0xE900] =	vst v63  }
.Ltmp7:
0x1ae: {  	_ = 	snop;
	(pc) =	sbr.rel @p0 .LBB2_2-.Ltmp7, $4  }
0x1af: {  	s28 =	sadd.s32 $0xCA30, s22;
	s29 =	sadd.s32 $0x60, s23  }
0x1b0: {  	[hbm4b:s29+s3] =	stream.linear.scatter [tilespmem:s28], [sflag:$0x4], $0x80, $0x38;
	[tilespmem:$0xE900] =	vst v63  }
0x1b1: {  	s30 =	sadd.s32 $0xCAB8, s22;
	s31 =	sadd.s32 $0x70, s23  }
0x1b2: {  	[hbm4b:s31+s3] =	stream.linear.scatter [tilespmem:s30], [sflag:$0x4], $0x80, $0x38;
	[tilespmem:$0xE900] =	vst v63  }
0x1b3: {  	s20 =	sadd.s32 $0x1, s20  }
0x1b4: {  	_ =	swait.ge [sflag:s19], $0x2000;
	p0 =	sne.s32 s20, s7  }
.Ltmp8:
0x1b5: {  	[sflag:s19] =	ssyncset.done $0x0;
	(pc) =	sbr.rel @p0 .LBB2_1-.Ltmp8, $4  }
0x1b6: {  	[sflag:s19] =	ssyncadd.s32 $0xFFFFE000  }
0x1b7: {  	_ =	swait.ge [sflag:s17], $0x2000  }
0x1b8: {  	[sflag:s17] =	ssyncset.done $0x0  }
0x1b9: {  	[sflag:s17] =	ssyncadd.s32 $0xFFFFE000  }
0x1ba: {  	_ =	sfence.sel $0x180000  }
0x1bb: {  	[bflag:$0x0] =	sbarrier.arrive $0xFFFF  }
0x1bc: {  	p0 =	sne.s32 s0, $0x0;
	_ =	strace $0x90000047  }
0x1bd: {  	s0 =	sadd.s32 @!p0 $0x100000, s1;
	[bflag:$0x2] =	sbarrier.arrive $0xFFFF  }
0x1be: {  	[sflag:s0] =	ssyncadd.tile.s32 @!p0 $0x1;
	_ =	shalt  }
.Lfunc_end2:
_tile_overlayer_lowered:
.L_overlay_start_2:
0x1bf: {  	(tag) =	ssettag $0x2  }
0x1c0: {  	s0 =	rddreg [dreg:$0x0];
	s2 =	stileid.u32  }
0x1c1: {  	s1 =	rddreg [dreg:$0x1];
	p0 =	sne.s32 s2, $0x0  }
0x1c2: {  	s3 =	rddreg [dreg:$0x2];
	[bflag:$0x3] =	sbarrier.arrive $0xFFFF;
	s2 =	simm.s32 @!p0 $0x1C05  }
0x1c3: {  	[timem:s3], [sflag:s2] =	dma.local @!p0 [hbm:s0], s1  }
0x1c4: {  	s0 =	simm.s32 @!p0 $0x5  }
0x1c5: {  	_ =	swait.ge @!p0 [sflag:s0], s1  }
0x1c6: {  	s1 =	ssub.s32 @!p0 $0x0, s1;
	[sflag:s0] =	ssyncset.done @!p0 $0x0  }
0x1c7: {  	[sflag:s0] =	ssyncadd.s32 @!p0 s1  }
0x1c8: {  	[bflag:$0x3] =	sbarrier.arrive $0xFFFF  }
0x1c9: {  	_ =	shalt  }

</sc_bundles>
